<compile_context>
chip_gen: v7x
topology: tpu7x:2x2x1
jax: 0.10.2.dev20260603
libtpu: 0.0.44.dev20260713+nightly
codegen_flags: <defaults>
</compile_context>

<pallas_src>
import functools

import jax
import jax.numpy as jnp
from jax import lax
from jax.experimental import pallas as pl
from jax.experimental.pallas import tpu as pltpu
from jax.experimental.pallas import tpu_sc as plsc

M = 100000
D = 128
CHUNK = 256
NCHUNKS = (M + CHUNK - 1) // CHUNK
UT = 10
USLICE = M // UT

_mesh = plsc.VectorSubcoreMesh(
    core_axis_name="c", subcore_axis_name="s", num_cores=1, num_subcores=16
)


def _iota16():
    return lax.iota(jnp.int32, 16)


@functools.partial(
    pl.kernel,
    out_type=(
        jax.ShapeDtypeStruct((D,), jnp.float32),
        jax.ShapeDtypeStruct((16,), jnp.float32),
        jax.ShapeDtypeStruct((16,), jnp.int32),
        jax.ShapeDtypeStruct((M,), jnp.int32),
    ),
    mesh=_mesh,
    compiler_params=pltpu.CompilerParams(
        needs_layout_passes=False,
        disable_bounds_checks=True,
        disable_semaphore_checks=True,
    ),
    scratch_types=[
        pltpu.VMEM((D,), jnp.float32),
        pltpu.VMEM((CHUNK,), jnp.int32),
        pltpu.VMEM((CHUNK,), jnp.float32),
        pltpu.VMEM((USLICE,), jnp.int32),
        pltpu.SemaphoreType.DMA,
        pltpu.SemaphoreType.DMA,
        pltpu.SemaphoreType.DMA,
    ],
)
def _theo_sc(
    spk_hbm, keys_hbm, act_hbm, usage_hbm,
    retr_out, conf_out, idx_out, usage_out,
    spk_v, idx_v, val_v, ubuf, sem, usem, osem,
):
    wid = lax.axis_index("s")
    is_ut = wid < UT
    base = wid * USLICE

    @pl.when(is_ut)
    def _():
        pltpu.async_copy(usage_hbm.at[pl.ds(base, USLICE)], ubuf, usem)

    pltpu.sync_copy(spk_hbm, spk_v)
    qacc = jnp.zeros((16,), jnp.int32)
    for j in range(D // 16):
        v = spk_v[pl.ds(16 * j, 16)]
        qacc = qacc + jnp.where(v > 0.5, _iota16() + 16 * j, 0)
    q = jnp.sum(qacc)

    @pl.when(is_ut)
    def _():
        pltpu.make_async_copy(
            usage_hbm.at[pl.ds(base, USLICE)], ubuf, usem
        ).wait()
        pltpu.async_copy(ubuf, usage_out.at[pl.ds(base, USLICE)], osem)

    def cond(carry):
        t, best = carry
        return (best == M) & (t < NCHUNKS)

    def body(carry):
        t, best = carry
        row0 = t * CHUNK
        for j in range(CHUNK // 16):
            g = row0 + 16 * j + _iota16()
            idx_v[pl.ds(16 * j, 16)] = jnp.minimum(g, M - 1) * D + q
        pltpu.async_copy(keys_hbm.at[idx_v], val_v, sem).wait()
        acc = jnp.full((16,), M, jnp.int32)
        for j in range(CHUNK // 16):
            v = val_v[pl.ds(16 * j, 16)]
            g = row0 + 16 * j + _iota16()
            acc = jnp.minimum(acc, jnp.where((v > 0.5) & (g < M), g, M))
        return (t + 1, jnp.minimum(best, jnp.min(acc)))

    _, gbest = lax.while_loop(cond, body, (jnp.int32(0), jnp.int32(M)))

    found = gbest < M
    best = jnp.where(found, gbest, 0)
    conf = jnp.where(found, jnp.float32(1.0), jnp.float32(0.0))

    @pl.when(is_ut)
    def _():
        pltpu.make_async_copy(
            ubuf, usage_out.at[pl.ds(base, USLICE)], osem
        ).wait()
        local = best - base

        @pl.when(found & (local >= 0) & (local < USLICE))
        def _():
            l0 = (local // 16) * 16
            idx_v[pl.ds(0, 16)] = ubuf[pl.ds(l0, 16)] + jnp.where(
                _iota16() + l0 == local, 1, 0
            )
            pltpu.sync_copy(
                idx_v.at[pl.ds(0, 16)], usage_out.at[pl.ds(base + l0, 16)]
            )

    @pl.when(wid == UT)
    def _():
        pltpu.sync_copy(act_hbm.at[pl.ds(best * D, D)], retr_out)

    @pl.when(wid == UT + 1)
    def _():
        spk_v[pl.ds(0, 16)] = jnp.full((16,), conf, jnp.float32)
        pltpu.sync_copy(spk_v.at[pl.ds(0, 16)], conf_out)

    @pl.when(wid == UT + 2)
    def _():
        idx_v[pl.ds(0, 16)] = jnp.full((16,), best, jnp.int32)
        pltpu.sync_copy(idx_v.at[pl.ds(0, 16)], idx_out)


def kernel(sensor_spikes, sensor_keys, action_values, is_active, usage_counts):
    del is_active
    spk = jnp.reshape(sensor_spikes, (-1,))
    keys_flat = jnp.reshape(sensor_keys, (-1,))
    act_flat = jnp.reshape(action_values, (-1,))
    retr, cf_v, ix_v, usage = _theo_sc(spk, keys_flat, act_flat, usage_counts)
    return (retr, cf_v[0], ix_v[0], usage)

# --- scband reference (transcript-rebuilt; emitter-appended) ---
"""Pipeline reference for scband-theo-scam-73229192397156 (READ-ONLY COPY).

The authoritative reference and input builder live on the scoring server;
editing this copy changes nothing except your own understanding.
"""

import jax, jax.numpy as jnp
import numpy as np

M = 100000  # max_engrams
D = 128     # spike_dim


def setup_inputs(seed: int = 0) -> dict:
    key = jax.random.key(seed)
    k1, k2, k3 = jax.random.split(key, 3)
    # sensor_spikes must be strictly one-hot per the module's validation
    q_idx = jax.random.randint(k1, (1,), 0, D)
    sensor_spikes = jax.nn.one_hot(q_idx, D, dtype=jnp.float32)
    # buffers (state): one-hot sensor keys, dense action values, active mask, usage counts
    key_idx = jax.random.randint(k2, (M,), 0, D)
    sensor_keys = jax.nn.one_hot(key_idx, D, dtype=jnp.float32)
    action_values = jax.random.normal(k3, (M, D), dtype=jnp.float32)
    is_active = jnp.ones((M,), dtype=bool)
    usage_counts = jnp.zeros((M,), dtype=jnp.int32)
    return {
        "sensor_spikes": sensor_spikes,
        "sensor_keys": sensor_keys,
        "action_values": action_values,
        "is_active": is_active,
        "usage_counts": usage_counts,
    }


def reference(sensor_spikes, sensor_keys, action_values, is_active, usage_counts):
    # external_retrieve: associative lookup over the engram memory
    similarity = jnp.matmul(sensor_spikes.astype(jnp.float32), sensor_keys.T)  # [1, M]
    similarity = jnp.where(is_active[None, :], similarity, -jnp.inf)
    best_idx = jnp.argmax(similarity, axis=-1)[0]
    confidence = similarity[0, best_idx]
    # usage_counts[best_idx] += 1 if confidence > 0.95 (functional scatter-add)
    inc = (confidence > 0.95).astype(usage_counts.dtype)
    new_usage_counts = usage_counts.at[best_idx].add(inc)
    retrieved = action_values[best_idx]  # gather row from memory
    return (retrieved, confidence, best_idx, new_usage_counts)

if __name__ == "__main__":
    import jax
    _d = setup_inputs()
    print(jax.jit(kernel)(*tuple(_d.values())))

</pallas_src>

<mosaic_0001>
#map = affine_map<(d0, d1) -> (0)>
module attributes {stable_mosaic.version = 14 : i64} {
  func.func @_theo_sc(%arg0: i32, %arg1: i32, %arg2: memref<128xf32, #tpu.memory_space<hbm>>, %arg3: memref<12800000xf32, #tpu.memory_space<hbm>>, %arg4: memref<12800000xf32, #tpu.memory_space<hbm>>, %arg5: memref<100000xi32, #tpu.memory_space<hbm>>, %arg6: memref<128xf32, #tpu.memory_space<hbm>>, %arg7: memref<16xf32, #tpu.memory_space<hbm>>, %arg8: memref<16xi32, #tpu.memory_space<hbm>>, %arg9: memref<100000xi32, #tpu.memory_space<hbm>>, %arg10: memref<128xf32, #tpu.memory_space<vmem>>, %arg11: memref<256xi32, #tpu.memory_space<vmem>>, %arg12: memref<256xf32, #tpu.memory_space<vmem>>, %arg13: memref<10000xi32, #tpu.memory_space<vmem>>, %arg14: memref<!tpu.dma_semaphore, #tpu.memory_space<semaphore_mem>>, %arg15: memref<!tpu.dma_semaphore, #tpu.memory_space<semaphore_mem>>, %arg16: memref<!tpu.dma_semaphore, #tpu.memory_space<semaphore_mem>>) attributes {dimension_semantics = [#tpu.dimension_semantics<core_parallel>, #tpu.dimension_semantics<subcore_parallel>], iteration_bounds = array<i64: 1, 16>, scalar_prefetch = 0 : i64, scratch_operands = 7 : i64, tpu.core_type = #tpu.core_type<sc_vector_subcore>, window_params = [{transform_indices = #map}, {transform_indices = #map}, {transform_indices = #map}, {transform_indices = #map}, {transform_indices = #map}, {transform_indices = #map}, {transform_indices = #map}, {transform_indices = #map}]} {
    %lt3A = arith.constant 10 : i32
    %lt3A_0 = arith.cmpi slt, %arg1, %lt3A : i32
    %mul3A = arith.constant 10000 : i32
    %mul3A_1 = arith.muli %arg1, %mul3A : i32
    %convert_element_type3A = arith.extui %lt3A_0 : i1 to i32
    %cond3A = arith.constant 0 : i32
    %cond3A_2 = arith.cmpi ne, %convert_element_type3A, %cond3A : i32
    scf.if %cond3A_2 {
      %dma_start3A = tpu.memref_slice %arg5[%mul3A_1] : memref<100000xi32, #tpu.memory_space<hbm>> -> memref<10000xi32, #tpu.memory_space<hbm>>
      %dma_start3A_134 = tpu.memref_slice %arg5[%mul3A_1] : memref<100000xi32, #tpu.memory_space<hbm>> -> memref<10000xi32, #tpu.memory_space<hbm>>
      tpu.enqueue_dma source(%dma_start3A_134 : memref<10000xi32, #tpu.memory_space<hbm>>) target(%arg13 : memref<10000xi32, #tpu.memory_space<vmem>>) target_semaphore(%arg15 : memref<!tpu.dma_semaphore, #tpu.memory_space<semaphore_mem>>)
    } else {
    }
    "tpu.region"() ({
      %run_scoped3A = tpu.sem_alloc : memref<!tpu.dma_semaphore, #tpu.memory_space<semaphore_mem>>
      tpu.enqueue_dma source(%arg2 : memref<128xf32, #tpu.memory_space<hbm>>) target(%arg10 : memref<128xf32, #tpu.memory_space<vmem>>) target_semaphore(%run_scoped3A : memref<!tpu.dma_semaphore, #tpu.memory_space<semaphore_mem>>)
      tpu.wait_dma2 semaphore(%run_scoped3A : memref<!tpu.dma_semaphore, #tpu.memory_space<semaphore_mem>>) src(%arg2 : memref<128xf32, #tpu.memory_space<hbm>>) dst(%arg10 : memref<128xf32, #tpu.memory_space<vmem>>)
      tpu.yield
    }) : () -> ()
    %broadcast_in_dim3A = arith.constant 0 : i32
    %broadcast_in_dim3A_3 = vector.broadcast %broadcast_in_dim3A : i32 to vector<16xi32>
    %get3A = arith.constant 0 : index
    %get3A_4 = tpu.vector_load %arg10[%get3A] {strides = array<i32>} : memref<128xf32, #tpu.memory_space<vmem>>, vector<16xf32>,
    %gt3A = arith.constant 5.000000e-01 : f32
    %gt3A_5 = vector.broadcast %gt3A : f32 to vector<16xf32>
    %gt3A_6 = arith.cmpf ogt, %get3A_4, %gt3A_5 : vector<16xf32>
    %iota3A = tpu.iota {dimensions = array<i32: 0>} : vector<16xi32>
    %add3A = arith.constant 0 : i32
    %add3A_7 = vector.broadcast %add3A : i32 to vector<16xi32>
    %add3A_8 = arith.addi %iota3A, %add3A_7 : vector<16xi32>
    %jit3A = arith.constant 0 : i32
    %broadcast_in_dim3A_9 = vector.broadcast %jit3A : i32 to vector<16xi32>
    %select_n3A = arith.select %gt3A_6, %add3A_8, %broadcast_in_dim3A_9 : vector<16xi1>, vector<16xi32>
    %add3A_10 = arith.addi %broadcast_in_dim3A_3, %select_n3A : vector<16xi32>
    %get3A_11 = arith.constant 16 : index
    %get3A_12 = tpu.vector_load %arg10[%get3A_11] {strides = array<i32>} : memref<128xf32, #tpu.memory_space<vmem>>, vector<16xf32>,
    %gt3A_13 = arith.constant 5.000000e-01 : f32
    %gt3A_14 = vector.broadcast %gt3A_13 : f32 to vector<16xf32>
    %gt3A_15 = arith.cmpf ogt, %get3A_12, %gt3A_14 : vector<16xf32>
    %iota3A_16 = tpu.iota {dimensions = array<i32: 0>} : vector<16xi32>
    %add3A_17 = arith.constant 16 : i32
    %add3A_18 = vector.broadcast %add3A_17 : i32 to vector<16xi32>
    %add3A_19 = arith.addi %iota3A_16, %add3A_18 : vector<16xi32>
    %jit3A_20 = arith.constant 0 : i32
    %broadcast_in_dim3A_21 = vector.broadcast %jit3A_20 : i32 to vector<16xi32>
    %select_n3A_22 = arith.select %gt3A_15, %add3A_19, %broadcast_in_dim3A_21 : vector<16xi1>, vector<16xi32>
    %add3A_23 = arith.addi %add3A_10, %select_n3A_22 : vector<16xi32>
    %get3A_24 = arith.constant 32 : index
    %get3A_25 = tpu.vector_load %arg10[%get3A_24] {strides = array<i32>} : memref<128xf32, #tpu.memory_space<vmem>>, vector<16xf32>,
    %gt3A_26 = arith.constant 5.000000e-01 : f32
    %gt3A_27 = vector.broadcast %gt3A_26 : f32 to vector<16xf32>
    %gt3A_28 = arith.cmpf ogt, %get3A_25, %gt3A_27 : vector<16xf32>
    %iota3A_29 = tpu.iota {dimensions = array<i32: 0>} : vector<16xi32>
    %add3A_30 = arith.constant 32 : i32
    %add3A_31 = vector.broadcast %add3A_30 : i32 to vector<16xi32>
    %add3A_32 = arith.addi %iota3A_29, %add3A_31 : vector<16xi32>
    %jit3A_33 = arith.constant 0 : i32
    %broadcast_in_dim3A_34 = vector.broadcast %jit3A_33 : i32 to vector<16xi32>
    %select_n3A_35 = arith.select %gt3A_28, %add3A_32, %broadcast_in_dim3A_34 : vector<16xi1>, vector<16xi32>
    %add3A_36 = arith.addi %add3A_23, %select_n3A_35 : vector<16xi32>
    %get3A_37 = arith.constant 48 : index
    %get3A_38 = tpu.vector_load %arg10[%get3A_37] {strides = array<i32>} : memref<128xf32, #tpu.memory_space<vmem>>, vector<16xf32>,
    %gt3A_39 = arith.constant 5.000000e-01 : f32
    %gt3A_40 = vector.broadcast %gt3A_39 : f32 to vector<16xf32>
    %gt3A_41 = arith.cmpf ogt, %get3A_38, %gt3A_40 : vector<16xf32>
    %iota3A_42 = tpu.iota {dimensions = array<i32: 0>} : vector<16xi32>
    %add3A_43 = arith.constant 48 : i32
    %add3A_44 = vector.broadcast %add3A_43 : i32 to vector<16xi32>
    %add3A_45 = arith.addi %iota3A_42, %add3A_44 : vector<16xi32>
    %jit3A_46 = arith.constant 0 : i32
    %broadcast_in_dim3A_47 = vector.broadcast %jit3A_46 : i32 to vector<16xi32>
    %select_n3A_48 = arith.select %gt3A_41, %add3A_45, %broadcast_in_dim3A_47 : vector<16xi1>, vector<16xi32>
    %add3A_49 = arith.addi %add3A_36, %select_n3A_48 : vector<16xi32>
    %get3A_50 = arith.constant 64 : index
    %get3A_51 = tpu.vector_load %arg10[%get3A_50] {strides = array<i32>} : memref<128xf32, #tpu.memory_space<vmem>>, vector<16xf32>,
    %gt3A_52 = arith.constant 5.000000e-01 : f32
    %gt3A_53 = vector.broadcast %gt3A_52 : f32 to vector<16xf32>
    %gt3A_54 = arith.cmpf ogt, %get3A_51, %gt3A_53 : vector<16xf32>
    %iota3A_55 = tpu.iota {dimensions = array<i32: 0>} : vector<16xi32>
    %add3A_56 = arith.constant 64 : i32
    %add3A_57 = vector.broadcast %add3A_56 : i32 to vector<16xi32>
    %add3A_58 = arith.addi %iota3A_55, %add3A_57 : vector<16xi32>
    %jit3A_59 = arith.constant 0 : i32
    %broadcast_in_dim3A_60 = vector.broadcast %jit3A_59 : i32 to vector<16xi32>
    %select_n3A_61 = arith.select %gt3A_54, %add3A_58, %broadcast_in_dim3A_60 : vector<16xi1>, vector<16xi32>
    %add3A_62 = arith.addi %add3A_49, %select_n3A_61 : vector<16xi32>
    %get3A_63 = arith.constant 80 : index
    %get3A_64 = tpu.vector_load %arg10[%get3A_63] {strides = array<i32>} : memref<128xf32, #tpu.memory_space<vmem>>, vector<16xf32>,
    %gt3A_65 = arith.constant 5.000000e-01 : f32
    %gt3A_66 = vector.broadcast %gt3A_65 : f32 to vector<16xf32>
    %gt3A_67 = arith.cmpf ogt, %get3A_64, %gt3A_66 : vector<16xf32>
    %iota3A_68 = tpu.iota {dimensions = array<i32: 0>} : vector<16xi32>
    %add3A_69 = arith.constant 80 : i32
    %add3A_70 = vector.broadcast %add3A_69 : i32 to vector<16xi32>
    %add3A_71 = arith.addi %iota3A_68, %add3A_70 : vector<16xi32>
    %jit3A_72 = arith.constant 0 : i32
    %broadcast_in_dim3A_73 = vector.broadcast %jit3A_72 : i32 to vector<16xi32>
    %select_n3A_74 = arith.select %gt3A_67, %add3A_71, %broadcast_in_dim3A_73 : vector<16xi1>, vector<16xi32>
    %add3A_75 = arith.addi %add3A_62, %select_n3A_74 : vector<16xi32>
    %get3A_76 = arith.constant 96 : index
    %get3A_77 = tpu.vector_load %arg10[%get3A_76] {strides = array<i32>} : memref<128xf32, #tpu.memory_space<vmem>>, vector<16xf32>,
    %gt3A_78 = arith.constant 5.000000e-01 : f32
    %gt3A_79 = vector.broadcast %gt3A_78 : f32 to vector<16xf32>
    %gt3A_80 = arith.cmpf ogt, %get3A_77, %gt3A_79 : vector<16xf32>
    %iota3A_81 = tpu.iota {dimensions = array<i32: 0>} : vector<16xi32>
    %add3A_82 = arith.constant 96 : i32
    %add3A_83 = vector.broadcast %add3A_82 : i32 to vector<16xi32>
    %add3A_84 = arith.addi %iota3A_81, %add3A_83 : vector<16xi32>
    %jit3A_85 = arith.constant 0 : i32
    %broadcast_in_dim3A_86 = vector.broadcast %jit3A_85 : i32 to vector<16xi32>
    %select_n3A_87 = arith.select %gt3A_80, %add3A_84, %broadcast_in_dim3A_86 : vector<16xi1>, vector<16xi32>
    %add3A_88 = arith.addi %add3A_75, %select_n3A_87 : vector<16xi32>
    %get3A_89 = arith.constant 112 : index
    %get3A_90 = tpu.vector_load %arg10[%get3A_89] {strides = array<i32>} : memref<128xf32, #tpu.memory_space<vmem>>, vector<16xf32>,
    %gt3A_91 = arith.constant 5.000000e-01 : f32
    %gt3A_92 = vector.broadcast %gt3A_91 : f32 to vector<16xf32>
    %gt3A_93 = arith.cmpf ogt, %get3A_90, %gt3A_92 : vector<16xf32>
    %iota3A_94 = tpu.iota {dimensions = array<i32: 0>} : vector<16xi32>
    %add3A_95 = arith.constant 112 : i32
    %add3A_96 = vector.broadcast %add3A_95 : i32 to vector<16xi32>
    %add3A_97 = arith.addi %iota3A_94, %add3A_96 : vector<16xi32>
    %jit3A_98 = arith.constant 0 : i32
    %broadcast_in_dim3A_99 = vector.broadcast %jit3A_98 : i32 to vector<16xi32>
    %select_n3A_100 = arith.select %gt3A_93, %add3A_97, %broadcast_in_dim3A_99 : vector<16xi1>, vector<16xi32>
    %add3A_101 = arith.addi %add3A_88, %select_n3A_100 : vector<16xi32>
    %reduce_sum3A = arith.constant true
    %reduce_sum3A_102 = vector.broadcast %reduce_sum3A : i1 to vector<16xi1>
    %reduce_sum3A_103 = tpu.scan <sum>, %add3A_101 masked %reduce_sum3A_102 : vector<16xi32>, vector<16xi1> -> vector<16xi32>
    %reduce_sum3A_104 = vector.extract %reduce_sum3A_103[15] : i32 from vector<16xi32>
    %convert_element_type3A_105 = arith.extui %lt3A_0 : i1 to i32
    %cond3A_106 = arith.constant 0 : i32
    %cond3A_107 = arith.cmpi ne, %convert_element_type3A_105, %cond3A_106 : i32
    scf.if %cond3A_107 {
      %dma_wait3A = tpu.memref_slice %arg5[%mul3A_1] : memref<100000xi32, #tpu.memory_space<hbm>> -> memref<10000xi32, #tpu.memory_space<hbm>>
      %dma_wait3A_134 = tpu.memref_slice %arg5[%mul3A_1] : memref<100000xi32, #tpu.memory_space<hbm>> -> memref<10000xi32, #tpu.memory_space<hbm>>
      tpu.wait_dma2 semaphore(%arg15 : memref<!tpu.dma_semaphore, #tpu.memory_space<semaphore_mem>>) src(%dma_wait3A_134 : memref<10000xi32, #tpu.memory_space<hbm>>) dst(%arg13 : memref<10000xi32, #tpu.memory_space<vmem>>)
      %dma_start3A = tpu.memref_slice %arg9[%mul3A_1] : memref<100000xi32, #tpu.memory_space<hbm>> -> memref<10000xi32, #tpu.memory_space<hbm>>
      %dma_start3A_135 = tpu.memref_slice %arg9[%mul3A_1] : memref<100000xi32, #tpu.memory_space<hbm>> -> memref<10000xi32, #tpu.memory_space<hbm>>
      tpu.enqueue_dma source(%arg13 : memref<10000xi32, #tpu.memory_space<vmem>>) target(%dma_start3A_135 : memref<10000xi32, #tpu.memory_space<hbm>>) target_semaphore(%arg16 : memref<!tpu.dma_semaphore, #tpu.memory_space<semaphore_mem>>)
    } else {
    }
    %while3A = arith.constant 0 : i32
    %while3A_108 = arith.constant 100000 : i32
    %while3A_109:2 = scf.while (%while3A_134 = %while3A, %while3A_135 = %while3A_108) : (i32, i32) -> (i32, i32) {
      %eq3A_136 = arith.constant 100000 : i32
      %eq3A_137 = arith.cmpi eq, %while3A_135, %eq3A_136 : i32
      %lt3A_138 = arith.constant 391 : i32
      %lt3A_139 = arith.cmpi slt, %while3A_134, %lt3A_138 : i32
      %and3A = arith.andi %eq3A_137, %lt3A_139 : i1
      scf.condition(%and3A) %while3A_134, %while3A_135 : i32, i32
    } do {
    ^bb0(%while3A_134: i32, %while3A_135: i32):
      %mul3A_136 = arith.constant 256 : i32
      %mul3A_137 = arith.muli %while3A_134, %mul3A_136 : i32
      %add3A_138 = arith.constant 0 : i32
      %add3A_139 = arith.addi %mul3A_137, %add3A_138 : i32
      %iota3A_140 = tpu.iota {dimensions = array<i32: 0>} : vector<16xi32>
      %add3A_141 = vector.broadcast %add3A_139 : i32 to vector<16xi32>
      %add3A_142 = arith.addi %add3A_141, %iota3A_140 : vector<16xi32>
      %min3A = arith.constant 99999 : i32
      %min3A_143 = vector.broadcast %min3A : i32 to vector<16xi32>
      %min3A_144 = arith.minsi %add3A_142, %min3A_143 : vector<16xi32>
      %mul3A_145 = arith.constant 128 : i32
      %mul3A_146 = vector.broadcast %mul3A_145 : i32 to vector<16xi32>
      %mul3A_147 = arith.muli %min3A_144, %mul3A_146 : vector<16xi32>
      %add3A_148 = vector.broadcast %reduce_sum3A_104 : i32 to vector<16xi32>
      %add3A_149 = arith.addi %mul3A_147, %add3A_148 : vector<16xi32>
      %swap3A = arith.constant 0 : index
      %swap3A_150 = tpu.vector_load %arg11[%swap3A] {strides = array<i32>} : memref<256xi32, #tpu.memory_space<vmem>>, vector<16xi32>,
      tpu.vector_store %arg11[%swap3A], %add3A_149 {strides = array<i32>} : memref<256xi32, #tpu.memory_space<vmem>>, vector<16xi32>,
      %add3A_151 = arith.constant 16 : i32
      %add3A_152 = arith.addi %mul3A_137, %add3A_151 : i32
      %iota3A_153 = tpu.iota {dimensions = array<i32: 0>} : vector<16xi32>
      %add3A_154 = vector.broadcast %add3A_152 : i32 to vector<16xi32>
      %add3A_155 = arith.addi %add3A_154, %iota3A_153 : vector<16xi32>
      %min3A_156 = arith.constant 99999 : i32
      %min3A_157 = vector.broadcast %min3A_156 : i32 to vector<16xi32>
      %min3A_158 = arith.minsi %add3A_155, %min3A_157 : vector<16xi32>
      %mul3A_159 = arith.constant 128 : i32
      %mul3A_160 = vector.broadcast %mul3A_159 : i32 to vector<16xi32>
      %mul3A_161 = arith.muli %min3A_158, %mul3A_160 : vector<16xi32>
      %add3A_162 = vector.broadcast %reduce_sum3A_104 : i32 to vector<16xi32>
      %add3A_163 = arith.addi %mul3A_161, %add3A_162 : vector<16xi32>
      %swap3A_164 = arith.constant 16 : index
      %swap3A_165 = tpu.vector_load %arg11[%swap3A_164] {strides = array<i32>} : memref<256xi32, #tpu.memory_space<vmem>>, vector<16xi32>,
      tpu.vector_store %arg11[%swap3A_164], %add3A_163 {strides = array<i32>} : memref<256xi32, #tpu.memory_space<vmem>>, vector<16xi32>,
      %add3A_166 = arith.constant 32 : i32
      %add3A_167 = arith.addi %mul3A_137, %add3A_166 : i32
      %iota3A_168 = tpu.iota {dimensions = array<i32: 0>} : vector<16xi32>
      %add3A_169 = vector.broadcast %add3A_167 : i32 to vector<16xi32>
      %add3A_170 = arith.addi %add3A_169, %iota3A_168 : vector<16xi32>
      %min3A_171 = arith.constant 99999 : i32
      %min3A_172 = vector.broadcast %min3A_171 : i32 to vector<16xi32>
      %min3A_173 = arith.minsi %add3A_170, %min3A_172 : vector<16xi32>
      %mul3A_174 = arith.constant 128 : i32
      %mul3A_175 = vector.broadcast %mul3A_174 : i32 to vector<16xi32>
      %mul3A_176 = arith.muli %min3A_173, %mul3A_175 : vector<16xi32>
      %add3A_177 = vector.broadcast %reduce_sum3A_104 : i32 to vector<16xi32>
      %add3A_178 = arith.addi %mul3A_176, %add3A_177 : vector<16xi32>
      %swap3A_179 = arith.constant 32 : index
      %swap3A_180 = tpu.vector_load %arg11[%swap3A_179] {strides = array<i32>} : memref<256xi32, #tpu.memory_space<vmem>>, vector<16xi32>,
      tpu.vector_store %arg11[%swap3A_179], %add3A_178 {strides = array<i32>} : memref<256xi32, #tpu.memory_space<vmem>>, vector<16xi32>,
      %add3A_181 = arith.constant 48 : i32
      %add3A_182 = arith.addi %mul3A_137, %add3A_181 : i32
      %iota3A_183 = tpu.iota {dimensions = array<i32: 0>} : vector<16xi32>
      %add3A_184 = vector.broadcast %add3A_182 : i32 to vector<16xi32>
      %add3A_185 = arith.addi %add3A_184, %iota3A_183 : vector<16xi32>
      %min3A_186 = arith.constant 99999 : i32
      %min3A_187 = vector.broadcast %min3A_186 : i32 to vector<16xi32>
      %min3A_188 = arith.minsi %add3A_185, %min3A_187 : vector<16xi32>
      %mul3A_189 = arith.constant 128 : i32
      %mul3A_190 = vector.broadcast %mul3A_189 : i32 to vector<16xi32>
      %mul3A_191 = arith.muli %min3A_188, %mul3A_190 : vector<16xi32>
      %add3A_192 = vector.broadcast %reduce_sum3A_104 : i32 to vector<16xi32>
      %add3A_193 = arith.addi %mul3A_191, %add3A_192 : vector<16xi32>
      %swap3A_194 = arith.constant 48 : index
      %swap3A_195 = tpu.vector_load %arg11[%swap3A_194] {strides = array<i32>} : memref<256xi32, #tpu.memory_space<vmem>>, vector<16xi32>,
      tpu.vector_store %arg11[%swap3A_194], %add3A_193 {strides = array<i32>} : memref<256xi32, #tpu.memory_space<vmem>>, vector<16xi32>,
      %add3A_196 = arith.constant 64 : i32
      %add3A_197 = arith.addi %mul3A_137, %add3A_196 : i32
      %iota3A_198 = tpu.iota {dimensions = array<i32: 0>} : vector<16xi32>
      %add3A_199 = vector.broadcast %add3A_197 : i32 to vector<16xi32>
      %add3A_200 = arith.addi %add3A_199, %iota3A_198 : vector<16xi32>
      %min3A_201 = arith.constant 99999 : i32
      %min3A_202 = vector.broadcast %min3A_201 : i32 to vector<16xi32>
      %min3A_203 = arith.minsi %add3A_200, %min3A_202 : vector<16xi32>
      %mul3A_204 = arith.constant 128 : i32
      %mul3A_205 = vector.broadcast %mul3A_204 : i32 to vector<16xi32>
      %mul3A_206 = arith.muli %min3A_203, %mul3A_205 : vector<16xi32>
      %add3A_207 = vector.broadcast %reduce_sum3A_104 : i32 to vector<16xi32>
      %add3A_208 = arith.addi %mul3A_206, %add3A_207 : vector<16xi32>
      %swap3A_209 = arith.constant 64 : index
      %swap3A_210 = tpu.vector_load %arg11[%swap3A_209] {strides = array<i32>} : memref<256xi32, #tpu.memory_space<vmem>>, vector<16xi32>,
      tpu.vector_store %arg11[%swap3A_209], %add3A_208 {strides = array<i32>} : memref<256xi32, #tpu.memory_space<vmem>>, vector<16xi32>,
      %add3A_211 = arith.constant 80 : i32
      %add3A_212 = arith.addi %mul3A_137, %add3A_211 : i32
      %iota3A_213 = tpu.iota {dimensions = array<i32: 0>} : vector<16xi32>
      %add3A_214 = vector.broadcast %add3A_212 : i32 to vector<16xi32>
      %add3A_215 = arith.addi %add3A_214, %iota3A_213 : vector<16xi32>
      %min3A_216 = arith.constant 99999 : i32
      %min3A_217 = vector.broadcast %min3A_216 : i32 to vector<16xi32>
      %min3A_218 = arith.minsi %add3A_215, %min3A_217 : vector<16xi32>
      %mul3A_219 = arith.constant 128 : i32
      %mul3A_220 = vector.broadcast %mul3A_219 : i32 to vector<16xi32>
      %mul3A_221 = arith.muli %min3A_218, %mul3A_220 : vector<16xi32>
      %add3A_222 = vector.broadcast %reduce_sum3A_104 : i32 to vector<16xi32>
      %add3A_223 = arith.addi %mul3A_221, %add3A_222 : vector<16xi32>
      %swap3A_224 = arith.constant 80 : index
      %swap3A_225 = tpu.vector_load %arg11[%swap3A_224] {strides = array<i32>} : memref<256xi32, #tpu.memory_space<vmem>>, vector<16xi32>,
      tpu.vector_store %arg11[%swap3A_224], %add3A_223 {strides = array<i32>} : memref<256xi32, #tpu.memory_space<vmem>>, vector<16xi32>,
      %add3A_226 = arith.constant 96 : i32
      %add3A_227 = arith.addi %mul3A_137, %add3A_226 : i32
      %iota3A_228 = tpu.iota {dimensions = array<i32: 0>} : vector<16xi32>
      %add3A_229 = vector.broadcast %add3A_227 : i32 to vector<16xi32>
      %add3A_230 = arith.addi %add3A_229, %iota3A_228 : vector<16xi32>
      %min3A_231 = arith.constant 99999 : i32
      %min3A_232 = vector.broadcast %min3A_231 : i32 to vector<16xi32>
      %min3A_233 = arith.minsi %add3A_230, %min3A_232 : vector<16xi32>
      %mul3A_234 = arith.constant 128 : i32
      %mul3A_235 = vector.broadcast %mul3A_234 : i32 to vector<16xi32>
      %mul3A_236 = arith.muli %min3A_233, %mul3A_235 : vector<16xi32>
      %add3A_237 = vector.broadcast %reduce_sum3A_104 : i32 to vector<16xi32>
      %add3A_238 = arith.addi %mul3A_236, %add3A_237 : vector<16xi32>
      %swap3A_239 = arith.constant 96 : index
      %swap3A_240 = tpu.vector_load %arg11[%swap3A_239] {strides = array<i32>} : memref<256xi32, #tpu.memory_space<vmem>>, vector<16xi32>,
      tpu.vector_store %arg11[%swap3A_239], %add3A_238 {strides = array<i32>} : memref<256xi32, #tpu.memory_space<vmem>>, vector<16xi32>,
      %add3A_241 = arith.constant 112 : i32
      %add3A_242 = arith.addi %mul3A_137, %add3A_241 : i32
      %iota3A_243 = tpu.iota {dimensions = array<i32: 0>} : vector<16xi32>
      %add3A_244 = vector.broadcast %add3A_242 : i32 to vector<16xi32>
      %add3A_245 = arith.addi %add3A_244, %iota3A_243 : vector<16xi32>
      %min3A_246 = arith.constant 99999 : i32
      %min3A_247 = vector.broadcast %min3A_246 : i32 to vector<16xi32>
      %min3A_248 = arith.minsi %add3A_245, %min3A_247 : vector<16xi32>
      %mul3A_249 = arith.constant 128 : i32
      %mul3A_250 = vector.broadcast %mul3A_249 : i32 to vector<16xi32>
      %mul3A_251 = arith.muli %min3A_248, %mul3A_250 : vector<16xi32>
      %add3A_252 = vector.broadcast %reduce_sum3A_104 : i32 to vector<16xi32>
      %add3A_253 = arith.addi %mul3A_251, %add3A_252 : vector<16xi32>
      %swap3A_254 = arith.constant 112 : index
      %swap3A_255 = tpu.vector_load %arg11[%swap3A_254] {strides = array<i32>} : memref<256xi32, #tpu.memory_space<vmem>>, vector<16xi32>,
      tpu.vector_store %arg11[%swap3A_254], %add3A_253 {strides = array<i32>} : memref<256xi32, #tpu.memory_space<vmem>>, vector<16xi32>,
      %add3A_256 = arith.constant 128 : i32
      %add3A_257 = arith.addi %mul3A_137, %add3A_256 : i32
      %iota3A_258 = tpu.iota {dimensions = array<i32: 0>} : vector<16xi32>
      %add3A_259 = vector.broadcast %add3A_257 : i32 to vector<16xi32>
      %add3A_260 = arith.addi %add3A_259, %iota3A_258 : vector<16xi32>
      %min3A_261 = arith.constant 99999 : i32
      %min3A_262 = vector.broadcast %min3A_261 : i32 to vector<16xi32>
      %min3A_263 = arith.minsi %add3A_260, %min3A_262 : vector<16xi32>
      %mul3A_264 = arith.constant 128 : i32
      %mul3A_265 = vector.broadcast %mul3A_264 : i32 to vector<16xi32>
      %mul3A_266 = arith.muli %min3A_263, %mul3A_265 : vector<16xi32>
      %add3A_267 = vector.broadcast %reduce_sum3A_104 : i32 to vector<16xi32>
      %add3A_268 = arith.addi %mul3A_266, %add3A_267 : vector<16xi32>
      %swap3A_269 = arith.constant 128 : index
      %swap3A_270 = tpu.vector_load %arg11[%swap3A_269] {strides = array<i32>} : memref<256xi32, #tpu.memory_space<vmem>>, vector<16xi32>,
      tpu.vector_store %arg11[%swap3A_269], %add3A_268 {strides = array<i32>} : memref<256xi32, #tpu.memory_space<vmem>>, vector<16xi32>,
      %add3A_271 = arith.constant 144 : i32
      %add3A_272 = arith.addi %mul3A_137, %add3A_271 : i32
      %iota3A_273 = tpu.iota {dimensions = array<i32: 0>} : vector<16xi32>
      %add3A_274 = vector.broadcast %add3A_272 : i32 to vector<16xi32>
      %add3A_275 = arith.addi %add3A_274, %iota3A_273 : vector<16xi32>
      %min3A_276 = arith.constant 99999 : i32
      %min3A_277 = vector.broadcast %min3A_276 : i32 to vector<16xi32>
      %min3A_278 = arith.minsi %add3A_275, %min3A_277 : vector<16xi32>
      %mul3A_279 = arith.constant 128 : i32
      %mul3A_280 = vector.broadcast %mul3A_279 : i32 to vector<16xi32>
      %mul3A_281 = arith.muli %min3A_278, %mul3A_280 : vector<16xi32>
      %add3A_282 = vector.broadcast %reduce_sum3A_104 : i32 to vector<16xi32>
      %add3A_283 = arith.addi %mul3A_281, %add3A_282 : vector<16xi32>
      %swap3A_284 = arith.constant 144 : index
      %swap3A_285 = tpu.vector_load %arg11[%swap3A_284] {strides = array<i32>} : memref<256xi32, #tpu.memory_space<vmem>>, vector<16xi32>,
      tpu.vector_store %arg11[%swap3A_284], %add3A_283 {strides = array<i32>} : memref<256xi32, #tpu.memory_space<vmem>>, vector<16xi32>,
      %add3A_286 = arith.constant 160 : i32
      %add3A_287 = arith.addi %mul3A_137, %add3A_286 : i32
      %iota3A_288 = tpu.iota {dimensions = array<i32: 0>} : vector<16xi32>
      %add3A_289 = vector.broadcast %add3A_287 : i32 to vector<16xi32>
      %add3A_290 = arith.addi %add3A_289, %iota3A_288 : vector<16xi32>
      %min3A_291 = arith.constant 99999 : i32
      %min3A_292 = vector.broadcast %min3A_291 : i32 to vector<16xi32>
      %min3A_293 = arith.minsi %add3A_290, %min3A_292 : vector<16xi32>
      %mul3A_294 = arith.constant 128 : i32
      %mul3A_295 = vector.broadcast %mul3A_294 : i32 to vector<16xi32>
      %mul3A_296 = arith.muli %min3A_293, %mul3A_295 : vector<16xi32>
      %add3A_297 = vector.broadcast %reduce_sum3A_104 : i32 to vector<16xi32>
      %add3A_298 = arith.addi %mul3A_296, %add3A_297 : vector<16xi32>
      %swap3A_299 = arith.constant 160 : index
      %swap3A_300 = tpu.vector_load %arg11[%swap3A_299] {strides = array<i32>} : memref<256xi32, #tpu.memory_space<vmem>>, vector<16xi32>,
      tpu.vector_store %arg11[%swap3A_299], %add3A_298 {strides = array<i32>} : memref<256xi32, #tpu.memory_space<vmem>>, vector<16xi32>,
      %add3A_301 = arith.constant 176 : i32
      %add3A_302 = arith.addi %mul3A_137, %add3A_301 : i32
      %iota3A_303 = tpu.iota {dimensions = array<i32: 0>} : vector<16xi32>
      %add3A_304 = vector.broadcast %add3A_302 : i32 to vector<16xi32>
      %add3A_305 = arith.addi %add3A_304, %iota3A_303 : vector<16xi32>
      %min3A_306 = arith.constant 99999 : i32
      %min3A_307 = vector.broadcast %min3A_306 : i32 to vector<16xi32>
      %min3A_308 = arith.minsi %add3A_305, %min3A_307 : vector<16xi32>
      %mul3A_309 = arith.constant 128 : i32
      %mul3A_310 = vector.broadcast %mul3A_309 : i32 to vector<16xi32>
      %mul3A_311 = arith.muli %min3A_308, %mul3A_310 : vector<16xi32>
      %add3A_312 = vector.broadcast %reduce_sum3A_104 : i32 to vector<16xi32>
      %add3A_313 = arith.addi %mul3A_311, %add3A_312 : vector<16xi32>
      %swap3A_314 = arith.constant 176 : index
      %swap3A_315 = tpu.vector_load %arg11[%swap3A_314] {strides = array<i32>} : memref<256xi32, #tpu.memory_space<vmem>>, vector<16xi32>,
      tpu.vector_store %arg11[%swap3A_314], %add3A_313 {strides = array<i32>} : memref<256xi32, #tpu.memory_space<vmem>>, vector<16xi32>,
      %add3A_316 = arith.constant 192 : i32
      %add3A_317 = arith.addi %mul3A_137, %add3A_316 : i32
      %iota3A_318 = tpu.iota {dimensions = array<i32: 0>} : vector<16xi32>
      %add3A_319 = vector.broadcast %add3A_317 : i32 to vector<16xi32>
      %add3A_320 = arith.addi %add3A_319, %iota3A_318 : vector<16xi32>
      %min3A_321 = arith.constant 99999 : i32
      %min3A_322 = vector.broadcast %min3A_321 : i32 to vector<16xi32>
      %min3A_323 = arith.minsi %add3A_320, %min3A_322 : vector<16xi32>
      %mul3A_324 = arith.constant 128 : i32
      %mul3A_325 = vector.broadcast %mul3A_324 : i32 to vector<16xi32>
      %mul3A_326 = arith.muli %min3A_323, %mul3A_325 : vector<16xi32>
      %add3A_327 = vector.broadcast %reduce_sum3A_104 : i32 to vector<16xi32>
      %add3A_328 = arith.addi %mul3A_326, %add3A_327 : vector<16xi32>
      %swap3A_329 = arith.constant 192 : index
      %swap3A_330 = tpu.vector_load %arg11[%swap3A_329] {strides = array<i32>} : memref<256xi32, #tpu.memory_space<vmem>>, vector<16xi32>,
      tpu.vector_store %arg11[%swap3A_329], %add3A_328 {strides = array<i32>} : memref<256xi32, #tpu.memory_space<vmem>>, vector<16xi32>,
      %add3A_331 = arith.constant 208 : i32
      %add3A_332 = arith.addi %mul3A_137, %add3A_331 : i32
      %iota3A_333 = tpu.iota {dimensions = array<i32: 0>} : vector<16xi32>
      %add3A_334 = vector.broadcast %add3A_332 : i32 to vector<16xi32>
      %add3A_335 = arith.addi %add3A_334, %iota3A_333 : vector<16xi32>
      %min3A_336 = arith.constant 99999 : i32
      %min3A_337 = vector.broadcast %min3A_336 : i32 to vector<16xi32>
      %min3A_338 = arith.minsi %add3A_335, %min3A_337 : vector<16xi32>
      %mul3A_339 = arith.constant 128 : i32
      %mul3A_340 = vector.broadcast %mul3A_339 : i32 to vector<16xi32>
      %mul3A_341 = arith.muli %min3A_338, %mul3A_340 : vector<16xi32>
      %add3A_342 = vector.broadcast %reduce_sum3A_104 : i32 to vector<16xi32>
      %add3A_343 = arith.addi %mul3A_341, %add3A_342 : vector<16xi32>
      %swap3A_344 = arith.constant 208 : index
      %swap3A_345 = tpu.vector_load %arg11[%swap3A_344] {strides = array<i32>} : memref<256xi32, #tpu.memory_space<vmem>>, vector<16xi32>,
      tpu.vector_store %arg11[%swap3A_344], %add3A_343 {strides = array<i32>} : memref<256xi32, #tpu.memory_space<vmem>>, vector<16xi32>,
      %add3A_346 = arith.constant 224 : i32
      %add3A_347 = arith.addi %mul3A_137, %add3A_346 : i32
      %iota3A_348 = tpu.iota {dimensions = array<i32: 0>} : vector<16xi32>
      %add3A_349 = vector.broadcast %add3A_347 : i32 to vector<16xi32>
      %add3A_350 = arith.addi %add3A_349, %iota3A_348 : vector<16xi32>
      %min3A_351 = arith.constant 99999 : i32
      %min3A_352 = vector.broadcast %min3A_351 : i32 to vector<16xi32>
      %min3A_353 = arith.minsi %add3A_350, %min3A_352 : vector<16xi32>
      %mul3A_354 = arith.constant 128 : i32
      %mul3A_355 = vector.broadcast %mul3A_354 : i32 to vector<16xi32>
      %mul3A_356 = arith.muli %min3A_353, %mul3A_355 : vector<16xi32>
      %add3A_357 = vector.broadcast %reduce_sum3A_104 : i32 to vector<16xi32>
      %add3A_358 = arith.addi %mul3A_356, %add3A_357 : vector<16xi32>
      %swap3A_359 = arith.constant 224 : index
      %swap3A_360 = tpu.vector_load %arg11[%swap3A_359] {strides = array<i32>} : memref<256xi32, #tpu.memory_space<vmem>>, vector<16xi32>,
      tpu.vector_store %arg11[%swap3A_359], %add3A_358 {strides = array<i32>} : memref<256xi32, #tpu.memory_space<vmem>>, vector<16xi32>,
      %add3A_361 = arith.constant 240 : i32
      %add3A_362 = arith.addi %mul3A_137, %add3A_361 : i32
      %iota3A_363 = tpu.iota {dimensions = array<i32: 0>} : vector<16xi32>
      %add3A_364 = vector.broadcast %add3A_362 : i32 to vector<16xi32>
      %add3A_365 = arith.addi %add3A_364, %iota3A_363 : vector<16xi32>
      %min3A_366 = arith.constant 99999 : i32
      %min3A_367 = vector.broadcast %min3A_366 : i32 to vector<16xi32>
      %min3A_368 = arith.minsi %add3A_365, %min3A_367 : vector<16xi32>
      %mul3A_369 = arith.constant 128 : i32
      %mul3A_370 = vector.broadcast %mul3A_369 : i32 to vector<16xi32>
      %mul3A_371 = arith.muli %min3A_368, %mul3A_370 : vector<16xi32>
      %add3A_372 = vector.broadcast %reduce_sum3A_104 : i32 to vector<16xi32>
      %add3A_373 = arith.addi %mul3A_371, %add3A_372 : vector<16xi32>
      %swap3A_374 = arith.constant 240 : index
      %swap3A_375 = tpu.vector_load %arg11[%swap3A_374] {strides = array<i32>} : memref<256xi32, #tpu.memory_space<vmem>>, vector<16xi32>,
      tpu.vector_store %arg11[%swap3A_374], %add3A_373 {strides = array<i32>} : memref<256xi32, #tpu.memory_space<vmem>>, vector<16xi32>,
      %dma_start3A = arith.constant 0 : i32
      %dma_start3A_376 = tpu.memref_slice %arg3[%dma_start3A] : memref<12800000xf32, #tpu.memory_space<hbm>> -> memref<12800000xf32, #tpu.memory_space<hbm>>
      tpu.enqueue_indirect_dma source(%dma_start3A_376 : memref<12800000xf32, #tpu.memory_space<hbm>>) target(%arg12 : memref<256xf32, #tpu.memory_space<vmem>>) offsets(%arg11 : memref<256xi32, #tpu.memory_space<vmem>>) semaphore(%arg14 : memref<!tpu.dma_semaphore, #tpu.memory_space<semaphore_mem>>)
      %dma_wait3A = arith.constant 0 : i32
      %dma_wait3A_377 = tpu.memref_slice %arg3[%dma_wait3A] : memref<12800000xf32, #tpu.memory_space<hbm>> -> memref<12800000xf32, #tpu.memory_space<hbm>>
      tpu.wait_indirect_dma semaphore(%arg14 : memref<!tpu.dma_semaphore, #tpu.memory_space<semaphore_mem>>) src(%dma_wait3A_377 : memref<12800000xf32, #tpu.memory_space<hbm>>) dst(%arg12 : memref<256xf32, #tpu.memory_space<vmem>>)
      %broadcast_in_dim3A_378 = arith.constant 100000 : i32
      %broadcast_in_dim3A_379 = vector.broadcast %broadcast_in_dim3A_378 : i32 to vector<16xi32>
      %get3A_380 = arith.constant 0 : index
      %get3A_381 = tpu.vector_load %arg12[%get3A_380] {strides = array<i32>} : memref<256xf32, #tpu.memory_space<vmem>>, vector<16xf32>,
      %add3A_382 = arith.constant 0 : i32
      %add3A_383 = arith.addi %mul3A_137, %add3A_382 : i32
      %iota3A_384 = tpu.iota {dimensions = array<i32: 0>} : vector<16xi32>
      %add3A_385 = vector.broadcast %add3A_383 : i32 to vector<16xi32>
      %add3A_386 = arith.addi %add3A_385, %iota3A_384 : vector<16xi32>
      %gt3A_387 = arith.constant 5.000000e-01 : f32
      %gt3A_388 = vector.broadcast %gt3A_387 : f32 to vector<16xf32>
      %gt3A_389 = arith.cmpf ogt, %get3A_381, %gt3A_388 : vector<16xf32>
      %lt3A_390 = arith.constant 100000 : i32
      %lt3A_391 = vector.broadcast %lt3A_390 : i32 to vector<16xi32>
      %lt3A_392 = arith.cmpi slt, %add3A_386, %lt3A_391 : vector<16xi32>
      %and3A = arith.andi %gt3A_389, %lt3A_392 : vector<16xi1>
      %jit3A_393 = arith.constant 100000 : i32
      %broadcast_in_dim3A_394 = vector.broadcast %jit3A_393 : i32 to vector<16xi32>
      %select_n3A_395 = arith.select %and3A, %add3A_386, %broadcast_in_dim3A_394 : vector<16xi1>, vector<16xi32>
      %min3A_396 = arith.minsi %broadcast_in_dim3A_379, %select_n3A_395 : vector<16xi32>
      %get3A_397 = arith.constant 16 : index
      %get3A_398 = tpu.vector_load %arg12[%get3A_397] {strides = array<i32>} : memref<256xf32, #tpu.memory_space<vmem>>, vector<16xf32>,
      %add3A_399 = arith.constant 16 : i32
      %add3A_400 = arith.addi %mul3A_137, %add3A_399 : i32
      %iota3A_401 = tpu.iota {dimensions = array<i32: 0>} : vector<16xi32>
      %add3A_402 = vector.broadcast %add3A_400 : i32 to vector<16xi32>
      %add3A_403 = arith.addi %add3A_402, %iota3A_401 : vector<16xi32>
      %gt3A_404 = arith.constant 5.000000e-01 : f32
      %gt3A_405 = vector.broadcast %gt3A_404 : f32 to vector<16xf32>
      %gt3A_406 = arith.cmpf ogt, %get3A_398, %gt3A_405 : vector<16xf32>
      %lt3A_407 = arith.constant 100000 : i32
      %lt3A_408 = vector.broadcast %lt3A_407 : i32 to vector<16xi32>
      %lt3A_409 = arith.cmpi slt, %add3A_403, %lt3A_408 : vector<16xi32>
      %and3A_410 = arith.andi %gt3A_406, %lt3A_409 : vector<16xi1>
      %jit3A_411 = arith.constant 100000 : i32
      %broadcast_in_dim3A_412 = vector.broadcast %jit3A_411 : i32 to vector<16xi32>
      %select_n3A_413 = arith.select %and3A_410, %add3A_403, %broadcast_in_dim3A_412 : vector<16xi1>, vector<16xi32>
      %min3A_414 = arith.minsi %min3A_396, %select_n3A_413 : vector<16xi32>
      %get3A_415 = arith.constant 32 : index
      %get3A_416 = tpu.vector_load %arg12[%get3A_415] {strides = array<i32>} : memref<256xf32, #tpu.memory_space<vmem>>, vector<16xf32>,
      %add3A_417 = arith.constant 32 : i32
      %add3A_418 = arith.addi %mul3A_137, %add3A_417 : i32
      %iota3A_419 = tpu.iota {dimensions = array<i32: 0>} : vector<16xi32>
      %add3A_420 = vector.broadcast %add3A_418 : i32 to vector<16xi32>
      %add3A_421 = arith.addi %add3A_420, %iota3A_419 : vector<16xi32>
      %gt3A_422 = arith.constant 5.000000e-01 : f32
      %gt3A_423 = vector.broadcast %gt3A_422 : f32 to vector<16xf32>
      %gt3A_424 = arith.cmpf ogt, %get3A_416, %gt3A_423 : vector<16xf32>
      %lt3A_425 = arith.constant 100000 : i32
      %lt3A_426 = vector.broadcast %lt3A_425 : i32 to vector<16xi32>
      %lt3A_427 = arith.cmpi slt, %add3A_421, %lt3A_426 : vector<16xi32>
      %and3A_428 = arith.andi %gt3A_424, %lt3A_427 : vector<16xi1>
      %jit3A_429 = arith.constant 100000 : i32
      %broadcast_in_dim3A_430 = vector.broadcast %jit3A_429 : i32 to vector<16xi32>
      %select_n3A_431 = arith.select %and3A_428, %add3A_421, %broadcast_in_dim3A_430 : vector<16xi1>, vector<16xi32>
      %min3A_432 = arith.minsi %min3A_414, %select_n3A_431 : vector<16xi32>
      %get3A_433 = arith.constant 48 : index
      %get3A_434 = tpu.vector_load %arg12[%get3A_433] {strides = array<i32>} : memref<256xf32, #tpu.memory_space<vmem>>, vector<16xf32>,
      %add3A_435 = arith.constant 48 : i32
      %add3A_436 = arith.addi %mul3A_137, %add3A_435 : i32
      %iota3A_437 = tpu.iota {dimensions = array<i32: 0>} : vector<16xi32>
      %add3A_438 = vector.broadcast %add3A_436 : i32 to vector<16xi32>
      %add3A_439 = arith.addi %add3A_438, %iota3A_437 : vector<16xi32>
      %gt3A_440 = arith.constant 5.000000e-01 : f32
      %gt3A_441 = vector.broadcast %gt3A_440 : f32 to vector<16xf32>
      %gt3A_442 = arith.cmpf ogt, %get3A_434, %gt3A_441 : vector<16xf32>
      %lt3A_443 = arith.constant 100000 : i32
      %lt3A_444 = vector.broadcast %lt3A_443 : i32 to vector<16xi32>
      %lt3A_445 = arith.cmpi slt, %add3A_439, %lt3A_444 : vector<16xi32>
      %and3A_446 = arith.andi %gt3A_442, %lt3A_445 : vector<16xi1>
      %jit3A_447 = arith.constant 100000 : i32
      %broadcast_in_dim3A_448 = vector.broadcast %jit3A_447 : i32 to vector<16xi32>
      %select_n3A_449 = arith.select %and3A_446, %add3A_439, %broadcast_in_dim3A_448 : vector<16xi1>, vector<16xi32>
      %min3A_450 = arith.minsi %min3A_432, %select_n3A_449 : vector<16xi32>
      %get3A_451 = arith.constant 64 : index
      %get3A_452 = tpu.vector_load %arg12[%get3A_451] {strides = array<i32>} : memref<256xf32, #tpu.memory_space<vmem>>, vector<16xf32>,
      %add3A_453 = arith.constant 64 : i32
      %add3A_454 = arith.addi %mul3A_137, %add3A_453 : i32
      %iota3A_455 = tpu.iota {dimensions = array<i32: 0>} : vector<16xi32>
      %add3A_456 = vector.broadcast %add3A_454 : i32 to vector<16xi32>
      %add3A_457 = arith.addi %add3A_456, %iota3A_455 : vector<16xi32>
      %gt3A_458 = arith.constant 5.000000e-01 : f32
      %gt3A_459 = vector.broadcast %gt3A_458 : f32 to vector<16xf32>
      %gt3A_460 = arith.cmpf ogt, %get3A_452, %gt3A_459 : vector<16xf32>
      %lt3A_461 = arith.constant 100000 : i32
      %lt3A_462 = vector.broadcast %lt3A_461 : i32 to vector<16xi32>
      %lt3A_463 = arith.cmpi slt, %add3A_457, %lt3A_462 : vector<16xi32>
      %and3A_464 = arith.andi %gt3A_460, %lt3A_463 : vector<16xi1>
      %jit3A_465 = arith.constant 100000 : i32
      %broadcast_in_dim3A_466 = vector.broadcast %jit3A_465 : i32 to vector<16xi32>
      %select_n3A_467 = arith.select %and3A_464, %add3A_457, %broadcast_in_dim3A_466 : vector<16xi1>, vector<16xi32>
      %min3A_468 = arith.minsi %min3A_450, %select_n3A_467 : vector<16xi32>
      %get3A_469 = arith.constant 80 : index
      %get3A_470 = tpu.vector_load %arg12[%get3A_469] {strides = array<i32>} : memref<256xf32, #tpu.memory_space<vmem>>, vector<16xf32>,
      %add3A_471 = arith.constant 80 : i32
      %add3A_472 = arith.addi %mul3A_137, %add3A_471 : i32
      %iota3A_473 = tpu.iota {dimensions = array<i32: 0>} : vector<16xi32>
      %add3A_474 = vector.broadcast %add3A_472 : i32 to vector<16xi32>
      %add3A_475 = arith.addi %add3A_474, %iota3A_473 : vector<16xi32>
      %gt3A_476 = arith.constant 5.000000e-01 : f32
      %gt3A_477 = vector.broadcast %gt3A_476 : f32 to vector<16xf32>
      %gt3A_478 = arith.cmpf ogt, %get3A_470, %gt3A_477 : vector<16xf32>
      %lt3A_479 = arith.constant 100000 : i32
      %lt3A_480 = vector.broadcast %lt3A_479 : i32 to vector<16xi32>
      %lt3A_481 = arith.cmpi slt, %add3A_475, %lt3A_480 : vector<16xi32>
      %and3A_482 = arith.andi %gt3A_478, %lt3A_481 : vector<16xi1>
      %jit3A_483 = arith.constant 100000 : i32
      %broadcast_in_dim3A_484 = vector.broadcast %jit3A_483 : i32 to vector<16xi32>
      %select_n3A_485 = arith.select %and3A_482, %add3A_475, %broadcast_in_dim3A_484 : vector<16xi1>, vector<16xi32>
      %min3A_486 = arith.minsi %min3A_468, %select_n3A_485 : vector<16xi32>
      %get3A_487 = arith.constant 96 : index
      %get3A_488 = tpu.vector_load %arg12[%get3A_487] {strides = array<i32>} : memref<256xf32, #tpu.memory_space<vmem>>, vector<16xf32>,
      %add3A_489 = arith.constant 96 : i32
      %add3A_490 = arith.addi %mul3A_137, %add3A_489 : i32
      %iota3A_491 = tpu.iota {dimensions = array<i32: 0>} : vector<16xi32>
      %add3A_492 = vector.broadcast %add3A_490 : i32 to vector<16xi32>
      %add3A_493 = arith.addi %add3A_492, %iota3A_491 : vector<16xi32>
      %gt3A_494 = arith.constant 5.000000e-01 : f32
      %gt3A_495 = vector.broadcast %gt3A_494 : f32 to vector<16xf32>
      %gt3A_496 = arith.cmpf ogt, %get3A_488, %gt3A_495 : vector<16xf32>
      %lt3A_497 = arith.constant 100000 : i32
      %lt3A_498 = vector.broadcast %lt3A_497 : i32 to vector<16xi32>
      %lt3A_499 = arith.cmpi slt, %add3A_493, %lt3A_498 : vector<16xi32>
      %and3A_500 = arith.andi %gt3A_496, %lt3A_499 : vector<16xi1>
      %jit3A_501 = arith.constant 100000 : i32
      %broadcast_in_dim3A_502 = vector.broadcast %jit3A_501 : i32 to vector<16xi32>
      %select_n3A_503 = arith.select %and3A_500, %add3A_493, %broadcast_in_dim3A_502 : vector<16xi1>, vector<16xi32>
      %min3A_504 = arith.minsi %min3A_486, %select_n3A_503 : vector<16xi32>
      %get3A_505 = arith.constant 112 : index
      %get3A_506 = tpu.vector_load %arg12[%get3A_505] {strides = array<i32>} : memref<256xf32, #tpu.memory_space<vmem>>, vector<16xf32>,
      %add3A_507 = arith.constant 112 : i32
      %add3A_508 = arith.addi %mul3A_137, %add3A_507 : i32
      %iota3A_509 = tpu.iota {dimensions = array<i32: 0>} : vector<16xi32>
      %add3A_510 = vector.broadcast %add3A_508 : i32 to vector<16xi32>
      %add3A_511 = arith.addi %add3A_510, %iota3A_509 : vector<16xi32>
      %gt3A_512 = arith.constant 5.000000e-01 : f32
      %gt3A_513 = vector.broadcast %gt3A_512 : f32 to vector<16xf32>
      %gt3A_514 = arith.cmpf ogt, %get3A_506, %gt3A_513 : vector<16xf32>
      %lt3A_515 = arith.constant 100000 : i32
      %lt3A_516 = vector.broadcast %lt3A_515 : i32 to vector<16xi32>
      %lt3A_517 = arith.cmpi slt, %add3A_511, %lt3A_516 : vector<16xi32>
      %and3A_518 = arith.andi %gt3A_514, %lt3A_517 : vector<16xi1>
      %jit3A_519 = arith.constant 100000 : i32
      %broadcast_in_dim3A_520 = vector.broadcast %jit3A_519 : i32 to vector<16xi32>
      %select_n3A_521 = arith.select %and3A_518, %add3A_511, %broadcast_in_dim3A_520 : vector<16xi1>, vector<16xi32>
      %min3A_522 = arith.minsi %min3A_504, %select_n3A_521 : vector<16xi32>
      %get3A_523 = arith.constant 128 : index
      %get3A_524 = tpu.vector_load %arg12[%get3A_523] {strides = array<i32>} : memref<256xf32, #tpu.memory_space<vmem>>, vector<16xf32>,
      %add3A_525 = arith.constant 128 : i32
      %add3A_526 = arith.addi %mul3A_137, %add3A_525 : i32
      %iota3A_527 = tpu.iota {dimensions = array<i32: 0>} : vector<16xi32>
      %add3A_528 = vector.broadcast %add3A_526 : i32 to vector<16xi32>
      %add3A_529 = arith.addi %add3A_528, %iota3A_527 : vector<16xi32>
      %gt3A_530 = arith.constant 5.000000e-01 : f32
      %gt3A_531 = vector.broadcast %gt3A_530 : f32 to vector<16xf32>
      %gt3A_532 = arith.cmpf ogt, %get3A_524, %gt3A_531 : vector<16xf32>
      %lt3A_533 = arith.constant 100000 : i32
      %lt3A_534 = vector.broadcast %lt3A_533 : i32 to vector<16xi32>
      %lt3A_535 = arith.cmpi slt, %add3A_529, %lt3A_534 : vector<16xi32>
      %and3A_536 = arith.andi %gt3A_532, %lt3A_535 : vector<16xi1>
      %jit3A_537 = arith.constant 100000 : i32
      %broadcast_in_dim3A_538 = vector.broadcast %jit3A_537 : i32 to vector<16xi32>
      %select_n3A_539 = arith.select %and3A_536, %add3A_529, %broadcast_in_dim3A_538 : vector<16xi1>, vector<16xi32>
      %min3A_540 = arith.minsi %min3A_522, %select_n3A_539 : vector<16xi32>
      %get3A_541 = arith.constant 144 : index
      %get3A_542 = tpu.vector_load %arg12[%get3A_541] {strides = array<i32>} : memref<256xf32, #tpu.memory_space<vmem>>, vector<16xf32>,
      %add3A_543 = arith.constant 144 : i32
      %add3A_544 = arith.addi %mul3A_137, %add3A_543 : i32
      %iota3A_545 = tpu.iota {dimensions = array<i32: 0>} : vector<16xi32>
      %add3A_546 = vector.broadcast %add3A_544 : i32 to vector<16xi32>
      %add3A_547 = arith.addi %add3A_546, %iota3A_545 : vector<16xi32>
      %gt3A_548 = arith.constant 5.000000e-01 : f32
      %gt3A_549 = vector.broadcast %gt3A_548 : f32 to vector<16xf32>
      %gt3A_550 = arith.cmpf ogt, %get3A_542, %gt3A_549 : vector<16xf32>
      %lt3A_551 = arith.constant 100000 : i32
      %lt3A_552 = vector.broadcast %lt3A_551 : i32 to vector<16xi32>
      %lt3A_553 = arith.cmpi slt, %add3A_547, %lt3A_552 : vector<16xi32>
      %and3A_554 = arith.andi %gt3A_550, %lt3A_553 : vector<16xi1>
      %jit3A_555 = arith.constant 100000 : i32
      %broadcast_in_dim3A_556 = vector.broadcast %jit3A_555 : i32 to vector<16xi32>
      %select_n3A_557 = arith.select %and3A_554, %add3A_547, %broadcast_in_dim3A_556 : vector<16xi1>, vector<16xi32>
      %min3A_558 = arith.minsi %min3A_540, %select_n3A_557 : vector<16xi32>
      %get3A_559 = arith.constant 160 : index
      %get3A_560 = tpu.vector_load %arg12[%get3A_559] {strides = array<i32>} : memref<256xf32, #tpu.memory_space<vmem>>, vector<16xf32>,
      %add3A_561 = arith.constant 160 : i32
      %add3A_562 = arith.addi %mul3A_137, %add3A_561 : i32
      %iota3A_563 = tpu.iota {dimensions = array<i32: 0>} : vector<16xi32>
      %add3A_564 = vector.broadcast %add3A_562 : i32 to vector<16xi32>
      %add3A_565 = arith.addi %add3A_564, %iota3A_563 : vector<16xi32>
      %gt3A_566 = arith.constant 5.000000e-01 : f32
      %gt3A_567 = vector.broadcast %gt3A_566 : f32 to vector<16xf32>
      %gt3A_568 = arith.cmpf ogt, %get3A_560, %gt3A_567 : vector<16xf32>
      %lt3A_569 = arith.constant 100000 : i32
      %lt3A_570 = vector.broadcast %lt3A_569 : i32 to vector<16xi32>
      %lt3A_571 = arith.cmpi slt, %add3A_565, %lt3A_570 : vector<16xi32>
      %and3A_572 = arith.andi %gt3A_568, %lt3A_571 : vector<16xi1>
      %jit3A_573 = arith.constant 100000 : i32
      %broadcast_in_dim3A_574 = vector.broadcast %jit3A_573 : i32 to vector<16xi32>
      %select_n3A_575 = arith.select %and3A_572, %add3A_565, %broadcast_in_dim3A_574 : vector<16xi1>, vector<16xi32>
      %min3A_576 = arith.minsi %min3A_558, %select_n3A_575 : vector<16xi32>
      %get3A_577 = arith.constant 176 : index
      %get3A_578 = tpu.vector_load %arg12[%get3A_577] {strides = array<i32>} : memref<256xf32, #tpu.memory_space<vmem>>, vector<16xf32>,
      %add3A_579 = arith.constant 176 : i32
      %add3A_580 = arith.addi %mul3A_137, %add3A_579 : i32
      %iota3A_581 = tpu.iota {dimensions = array<i32: 0>} : vector<16xi32>
      %add3A_582 = vector.broadcast %add3A_580 : i32 to vector<16xi32>
      %add3A_583 = arith.addi %add3A_582, %iota3A_581 : vector<16xi32>
      %gt3A_584 = arith.constant 5.000000e-01 : f32
      %gt3A_585 = vector.broadcast %gt3A_584 : f32 to vector<16xf32>
      %gt3A_586 = arith.cmpf ogt, %get3A_578, %gt3A_585 : vector<16xf32>
      %lt3A_587 = arith.constant 100000 : i32
      %lt3A_588 = vector.broadcast %lt3A_587 : i32 to vector<16xi32>
      %lt3A_589 = arith.cmpi slt, %add3A_583, %lt3A_588 : vector<16xi32>
      %and3A_590 = arith.andi %gt3A_586, %lt3A_589 : vector<16xi1>
      %jit3A_591 = arith.constant 100000 : i32
      %broadcast_in_dim3A_592 = vector.broadcast %jit3A_591 : i32 to vector<16xi32>
      %select_n3A_593 = arith.select %and3A_590, %add3A_583, %broadcast_in_dim3A_592 : vector<16xi1>, vector<16xi32>
      %min3A_594 = arith.minsi %min3A_576, %select_n3A_593 : vector<16xi32>
      %get3A_595 = arith.constant 192 : index
      %get3A_596 = tpu.vector_load %arg12[%get3A_595] {strides = array<i32>} : memref<256xf32, #tpu.memory_space<vmem>>, vector<16xf32>,
      %add3A_597 = arith.constant 192 : i32
      %add3A_598 = arith.addi %mul3A_137, %add3A_597 : i32
      %iota3A_599 = tpu.iota {dimensions = array<i32: 0>} : vector<16xi32>
      %add3A_600 = vector.broadcast %add3A_598 : i32 to vector<16xi32>
      %add3A_601 = arith.addi %add3A_600, %iota3A_599 : vector<16xi32>
      %gt3A_602 = arith.constant 5.000000e-01 : f32
      %gt3A_603 = vector.broadcast %gt3A_602 : f32 to vector<16xf32>
      %gt3A_604 = arith.cmpf ogt, %get3A_596, %gt3A_603 : vector<16xf32>
      %lt3A_605 = arith.constant 100000 : i32
      %lt3A_606 = vector.broadcast %lt3A_605 : i32 to vector<16xi32>
      %lt3A_607 = arith.cmpi slt, %add3A_601, %lt3A_606 : vector<16xi32>
      %and3A_608 = arith.andi %gt3A_604, %lt3A_607 : vector<16xi1>
      %jit3A_609 = arith.constant 100000 : i32
      %broadcast_in_dim3A_610 = vector.broadcast %jit3A_609 : i32 to vector<16xi32>
      %select_n3A_611 = arith.select %and3A_608, %add3A_601, %broadcast_in_dim3A_610 : vector<16xi1>, vector<16xi32>
      %min3A_612 = arith.minsi %min3A_594, %select_n3A_611 : vector<16xi32>
      %get3A_613 = arith.constant 208 : index
      %get3A_614 = tpu.vector_load %arg12[%get3A_613] {strides = array<i32>} : memref<256xf32, #tpu.memory_space<vmem>>, vector<16xf32>,
      %add3A_615 = arith.constant 208 : i32
      %add3A_616 = arith.addi %mul3A_137, %add3A_615 : i32
      %iota3A_617 = tpu.iota {dimensions = array<i32: 0>} : vector<16xi32>
      %add3A_618 = vector.broadcast %add3A_616 : i32 to vector<16xi32>
      %add3A_619 = arith.addi %add3A_618, %iota3A_617 : vector<16xi32>
      %gt3A_620 = arith.constant 5.000000e-01 : f32
      %gt3A_621 = vector.broadcast %gt3A_620 : f32 to vector<16xf32>
      %gt3A_622 = arith.cmpf ogt, %get3A_614, %gt3A_621 : vector<16xf32>
      %lt3A_623 = arith.constant 100000 : i32
      %lt3A_624 = vector.broadcast %lt3A_623 : i32 to vector<16xi32>
      %lt3A_625 = arith.cmpi slt, %add3A_619, %lt3A_624 : vector<16xi32>
      %and3A_626 = arith.andi %gt3A_622, %lt3A_625 : vector<16xi1>
      %jit3A_627 = arith.constant 100000 : i32
      %broadcast_in_dim3A_628 = vector.broadcast %jit3A_627 : i32 to vector<16xi32>
      %select_n3A_629 = arith.select %and3A_626, %add3A_619, %broadcast_in_dim3A_628 : vector<16xi1>, vector<16xi32>
      %min3A_630 = arith.minsi %min3A_612, %select_n3A_629 : vector<16xi32>
      %get3A_631 = arith.constant 224 : index
      %get3A_632 = tpu.vector_load %arg12[%get3A_631] {strides = array<i32>} : memref<256xf32, #tpu.memory_space<vmem>>, vector<16xf32>,
      %add3A_633 = arith.constant 224 : i32
      %add3A_634 = arith.addi %mul3A_137, %add3A_633 : i32
      %iota3A_635 = tpu.iota {dimensions = array<i32: 0>} : vector<16xi32>
      %add3A_636 = vector.broadcast %add3A_634 : i32 to vector<16xi32>
      %add3A_637 = arith.addi %add3A_636, %iota3A_635 : vector<16xi32>
      %gt3A_638 = arith.constant 5.000000e-01 : f32
      %gt3A_639 = vector.broadcast %gt3A_638 : f32 to vector<16xf32>
      %gt3A_640 = arith.cmpf ogt, %get3A_632, %gt3A_639 : vector<16xf32>
      %lt3A_641 = arith.constant 100000 : i32
      %lt3A_642 = vector.broadcast %lt3A_641 : i32 to vector<16xi32>
      %lt3A_643 = arith.cmpi slt, %add3A_637, %lt3A_642 : vector<16xi32>
      %and3A_644 = arith.andi %gt3A_640, %lt3A_643 : vector<16xi1>
      %jit3A_645 = arith.constant 100000 : i32
      %broadcast_in_dim3A_646 = vector.broadcast %jit3A_645 : i32 to vector<16xi32>
      %select_n3A_647 = arith.select %and3A_644, %add3A_637, %broadcast_in_dim3A_646 : vector<16xi1>, vector<16xi32>
      %min3A_648 = arith.minsi %min3A_630, %select_n3A_647 : vector<16xi32>
      %get3A_649 = arith.constant 240 : index
      %get3A_650 = tpu.vector_load %arg12[%get3A_649] {strides = array<i32>} : memref<256xf32, #tpu.memory_space<vmem>>, vector<16xf32>,
      %add3A_651 = arith.constant 240 : i32
      %add3A_652 = arith.addi %mul3A_137, %add3A_651 : i32
      %iota3A_653 = tpu.iota {dimensions = array<i32: 0>} : vector<16xi32>
      %add3A_654 = vector.broadcast %add3A_652 : i32 to vector<16xi32>
      %add3A_655 = arith.addi %add3A_654, %iota3A_653 : vector<16xi32>
      %gt3A_656 = arith.constant 5.000000e-01 : f32
      %gt3A_657 = vector.broadcast %gt3A_656 : f32 to vector<16xf32>
      %gt3A_658 = arith.cmpf ogt, %get3A_650, %gt3A_657 : vector<16xf32>
      %lt3A_659 = arith.constant 100000 : i32
      %lt3A_660 = vector.broadcast %lt3A_659 : i32 to vector<16xi32>
      %lt3A_661 = arith.cmpi slt, %add3A_655, %lt3A_660 : vector<16xi32>
      %and3A_662 = arith.andi %gt3A_658, %lt3A_661 : vector<16xi1>
      %jit3A_663 = arith.constant 100000 : i32
      %broadcast_in_dim3A_664 = vector.broadcast %jit3A_663 : i32 to vector<16xi32>
      %select_n3A_665 = arith.select %and3A_662, %add3A_655, %broadcast_in_dim3A_664 : vector<16xi1>, vector<16xi32>
      %min3A_666 = arith.minsi %min3A_648, %select_n3A_665 : vector<16xi32>
      %add3A_667 = arith.constant 1 : i32
      %add3A_668 = arith.addi %while3A_134, %add3A_667 : i32
      %reduce_min3A = arith.constant true
      %reduce_min3A_669 = vector.broadcast %reduce_min3A : i1 to vector<16xi1>
      %reduce_min3A_670 = arith.constant -2147483648 : i32
      %reduce_min3A_671 = vector.broadcast %reduce_min3A_670 : i32 to vector<16xi32>
      %reduce_min3A_672 = arith.xori %min3A_666, %reduce_min3A_671 : vector<16xi32>
      %reduce_min3A_673 = tpu.scan <min>, %reduce_min3A_672 masked %reduce_min3A_669 : vector<16xi32>, vector<16xi1> -> vector<16xi32>
      %reduce_min3A_674 = arith.xori %reduce_min3A_673, %reduce_min3A_671 : vector<16xi32>
      %reduce_min3A_675 = vector.extract %reduce_min3A_674[15] : i32 from vector<16xi32>
      %min3A_676 = arith.minsi %while3A_135, %reduce_min3A_675 : i32
      scf.yield %add3A_668, %min3A_676 : i32, i32
    }
    %lt3A_110 = arith.constant 100000 : i32
    %lt3A_111 = arith.cmpi slt, %while3A_109#1, %lt3A_110 : i32
    %jit3A_112 = arith.constant 0 : i32
    %select_n3A_113 = arith.select %lt3A_111, %while3A_109#1, %jit3A_112 : i32
    %jit3A_114 = arith.constant 1.000000e+00 : f32
    %jit3A_115 = arith.constant 0.000000e+00 : f32
    %select_n3A_116 = arith.select %lt3A_111, %jit3A_114, %jit3A_115 : f32
    %convert_element_type3A_117 = arith.extui %lt3A_0 : i1 to i32
    %cond3A_118 = arith.constant 0 : i32
    %cond3A_119 = arith.cmpi ne, %convert_element_type3A_117, %cond3A_118 : i32
    scf.if %cond3A_119 {
      %dma_wait3A = tpu.memref_slice %arg9[%mul3A_1] : memref<100000xi32, #tpu.memory_space<hbm>> -> memref<10000xi32, #tpu.memory_space<hbm>>
      %dma_wait3A_134 = tpu.memref_slice %arg9[%mul3A_1] : memref<100000xi32, #tpu.memory_space<hbm>> -> memref<10000xi32, #tpu.memory_space<hbm>>
      tpu.wait_dma2 semaphore(%arg16 : memref<!tpu.dma_semaphore, #tpu.memory_space<semaphore_mem>>) src(%arg13 : memref<10000xi32, #tpu.memory_space<vmem>>) dst(%dma_wait3A_134 : memref<10000xi32, #tpu.memory_space<hbm>>)
      %sub3A = arith.subi %select_n3A_113, %mul3A_1 : i32
      %ge3A = arith.constant 0 : i32
      %ge3A_135 = arith.cmpi sge, %sub3A, %ge3A : i32
      %and3A = arith.andi %lt3A_111, %ge3A_135 : i1
      %lt3A_136 = arith.constant 10000 : i32
      %lt3A_137 = arith.cmpi slt, %sub3A, %lt3A_136 : i32
      %and3A_138 = arith.andi %and3A, %lt3A_137 : i1
      %convert_element_type3A_139 = arith.extui %and3A_138 : i1 to i32
      %cond3A_140 = arith.constant 0 : i32
      %cond3A_141 = arith.cmpi ne, %convert_element_type3A_139, %cond3A_140 : i32
      scf.if %cond3A_141 {
        %jit3A_142 = arith.constant 16 : i32
        %div3A = arith.divsi %sub3A, %jit3A_142 : i32
        %sign3A = arith.constant 0 : i32
        %sign3A_143 = arith.cmpi sgt, %sub3A, %sign3A : i32
        %sign3A_144 = arith.extui %sign3A_143 : i1 to i32
        %sign3A_145 = arith.constant 0 : i32
        %sign3A_146 = arith.cmpi slt, %sub3A, %sign3A_145 : i32
        %sign3A_147 = arith.extui %sign3A_146 : i1 to i32
        %sign3A_148 = arith.subi %sign3A_144, %sign3A_147 : i32
        %sign3A_149 = arith.constant 0 : i32
        %sign3A_150 = arith.cmpi sgt, %jit3A_142, %sign3A_149 : i32
        %sign3A_151 = arith.extui %sign3A_150 : i1 to i32
        %sign3A_152 = arith.constant 0 : i32
        %sign3A_153 = arith.cmpi slt, %jit3A_142, %sign3A_152 : i32
        %sign3A_154 = arith.extui %sign3A_153 : i1 to i32
        %sign3A_155 = arith.subi %sign3A_151, %sign3A_154 : i32
        %ne3A = arith.cmpi ne, %sign3A_148, %sign3A_155 : i32
        %rem3A = arith.remsi %sub3A, %jit3A_142 : i32
        %ne3A_156 = arith.constant 0 : i32
        %ne3A_157 = arith.cmpi ne, %rem3A, %ne3A_156 : i32
        %and3A_158 = arith.andi %ne3A, %ne3A_157 : i1
        %sub3A_159 = arith.constant 1 : i32
        %sub3A_160 = arith.subi %div3A, %sub3A_159 : i32
        %select_n3A_161 = arith.select %and3A_158, %sub3A_160, %div3A : i32
        %mul3A_162 = arith.constant 16 : i32
        %mul3A_163 = arith.muli %select_n3A_161, %mul3A_162 : i32
        %get3A_164 = arith.index_cast %mul3A_163 : i32 to index
        %get3A_165 = tpu.vector_load %arg13[%get3A_164] {strides = array<i32>} : memref<10000xi32, #tpu.memory_space<vmem>>, vector<16xi32>,
        %iota3A_166 = tpu.iota {dimensions = array<i32: 0>} : vector<16xi32>
        %add3A_167 = vector.broadcast %mul3A_163 : i32 to vector<16xi32>
        %add3A_168 = arith.addi %iota3A_166, %add3A_167 : vector<16xi32>
        %eq3A_169 = vector.broadcast %sub3A : i32 to vector<16xi32>
        %eq3A_170 = arith.cmpi eq, %add3A_168, %eq3A_169 : vector<16xi32>
        %jit3A_171 = arith.constant 1 : i32
        %jit3A_172 = arith.constant 0 : i32
        %broadcast_in_dim3A_173 = vector.broadcast %jit3A_171 : i32 to vector<16xi32>
        %broadcast_in_dim3A_174 = vector.broadcast %jit3A_172 : i32 to vector<16xi32>
        %select_n3A_175 = arith.select %eq3A_170, %broadcast_in_dim3A_173, %broadcast_in_dim3A_174 : vector<16xi1>, vector<16xi32>
        %add3A_176 = arith.addi %get3A_165, %select_n3A_175 : vector<16xi32>
        %swap3A = arith.constant 0 : index
        %swap3A_177 = tpu.vector_load %arg11[%swap3A] {strides = array<i32>} : memref<256xi32, #tpu.memory_space<vmem>>, vector<16xi32>,
        tpu.vector_store %arg11[%swap3A], %add3A_176 {strides = array<i32>} : memref<256xi32, #tpu.memory_space<vmem>>, vector<16xi32>,
        %add3A_178 = arith.addi %mul3A_1, %mul3A_163 : i32
        "tpu.region"() ({
          %run_scoped3A = tpu.sem_alloc : memref<!tpu.dma_semaphore, #tpu.memory_space<semaphore_mem>>
          %dma_start3A = arith.constant 0 : i32
          %dma_start3A_179 = tpu.memref_slice %arg11[%dma_start3A] : memref<256xi32, #tpu.memory_space<vmem>> -> memref<16xi32, #tpu.memory_space<vmem>>
          %dma_start3A_180 = tpu.memref_slice %arg9[%add3A_178] : memref<100000xi32, #tpu.memory_space<hbm>> -> memref<16xi32, #tpu.memory_space<hbm>>
          %dma_start3A_181 = tpu.memref_slice %arg9[%add3A_178] : memref<100000xi32, #tpu.memory_space<hbm>> -> memref<16xi32, #tpu.memory_space<hbm>>
          %dma_start3A_182 = arith.constant 0 : i32
          %dma_start3A_183 = tpu.memref_slice %arg11[%dma_start3A_182] : memref<256xi32, #tpu.memory_space<vmem>> -> memref<16xi32, #tpu.memory_space<vmem>>
          tpu.enqueue_dma source(%dma_start3A_183 : memref<16xi32, #tpu.memory_space<vmem>>) target(%dma_start3A_181 : memref<16xi32, #tpu.memory_space<hbm>>) target_semaphore(%run_scoped3A : memref<!tpu.dma_semaphore, #tpu.memory_space<semaphore_mem>>)
          %dma_wait3A_184 = arith.constant 0 : i32
          %dma_wait3A_185 = tpu.memref_slice %arg11[%dma_wait3A_184] : memref<256xi32, #tpu.memory_space<vmem>> -> memref<16xi32, #tpu.memory_space<vmem>>
          %dma_wait3A_186 = tpu.memref_slice %arg9[%add3A_178] : memref<100000xi32, #tpu.memory_space<hbm>> -> memref<16xi32, #tpu.memory_space<hbm>>
          %dma_wait3A_187 = tpu.memref_slice %arg9[%add3A_178] : memref<100000xi32, #tpu.memory_space<hbm>> -> memref<16xi32, #tpu.memory_space<hbm>>
          %dma_wait3A_188 = arith.constant 0 : i32
          %dma_wait3A_189 = tpu.memref_slice %arg11[%dma_wait3A_188] : memref<256xi32, #tpu.memory_space<vmem>> -> memref<16xi32, #tpu.memory_space<vmem>>
          tpu.wait_dma2 semaphore(%run_scoped3A : memref<!tpu.dma_semaphore, #tpu.memory_space<semaphore_mem>>) src(%dma_wait3A_189 : memref<16xi32, #tpu.memory_space<vmem>>) dst(%dma_wait3A_187 : memref<16xi32, #tpu.memory_space<hbm>>)
          tpu.yield
        }) : () -> ()
      } else {
      }
    } else {
    }
    %eq3A = arith.constant 10 : i32
    %eq3A_120 = arith.cmpi eq, %arg1, %eq3A : i32
    %convert_element_type3A_121 = arith.extui %eq3A_120 : i1 to i32
    %cond3A_122 = arith.constant 0 : i32
    %cond3A_123 = arith.cmpi ne, %convert_element_type3A_121, %cond3A_122 : i32
    scf.if %cond3A_123 {
      %mul3A_134 = arith.constant 128 : i32
      %mul3A_135 = arith.muli %select_n3A_113, %mul3A_134 : i32
      "tpu.region"() ({
        %run_scoped3A = tpu.sem_alloc : memref<!tpu.dma_semaphore, #tpu.memory_space<semaphore_mem>>
        %dma_start3A = tpu.memref_slice %arg4[%mul3A_135] : memref<12800000xf32, #tpu.memory_space<hbm>> -> memref<128xf32, #tpu.memory_space<hbm>>
        tpu.enqueue_dma source(%dma_start3A : memref<128xf32, #tpu.memory_space<hbm>>) target(%arg6 : memref<128xf32, #tpu.memory_space<hbm>>) target_semaphore(%run_scoped3A : memref<!tpu.dma_semaphore, #tpu.memory_space<semaphore_mem>>)
        %dma_wait3A = tpu.memref_slice %arg4[%mul3A_135] : memref<12800000xf32, #tpu.memory_space<hbm>> -> memref<128xf32, #tpu.memory_space<hbm>>
        tpu.wait_dma2 semaphore(%run_scoped3A : memref<!tpu.dma_semaphore, #tpu.memory_space<semaphore_mem>>) src(%dma_wait3A : memref<128xf32, #tpu.memory_space<hbm>>) dst(%arg6 : memref<128xf32, #tpu.memory_space<hbm>>)
        tpu.yield
      }) : () -> ()
    } else {
    }
    %eq3A_124 = arith.constant 11 : i32
    %eq3A_125 = arith.cmpi eq, %arg1, %eq3A_124 : i32
    %convert_element_type3A_126 = arith.extui %eq3A_125 : i1 to i32
    %cond3A_127 = arith.constant 0 : i32
    %cond3A_128 = arith.cmpi ne, %convert_element_type3A_126, %cond3A_127 : i32
    scf.if %cond3A_128 {
      %broadcast_in_dim3A_134 = vector.broadcast %select_n3A_116 : f32 to vector<16xf32>
      %swap3A = arith.constant 0 : index
      %swap3A_135 = tpu.vector_load %arg10[%swap3A] {strides = array<i32>} : memref<128xf32, #tpu.memory_space<vmem>>, vector<16xf32>,
      tpu.vector_store %arg10[%swap3A], %broadcast_in_dim3A_134 {strides = array<i32>} : memref<128xf32, #tpu.memory_space<vmem>>, vector<16xf32>,
      "tpu.region"() ({
        %run_scoped3A = tpu.sem_alloc : memref<!tpu.dma_semaphore, #tpu.memory_space<semaphore_mem>>
        %dma_start3A = arith.constant 0 : i32
        %dma_start3A_136 = tpu.memref_slice %arg10[%dma_start3A] : memref<128xf32, #tpu.memory_space<vmem>> -> memref<16xf32, #tpu.memory_space<vmem>>
        %dma_start3A_137 = arith.constant 0 : i32
        %dma_start3A_138 = tpu.memref_slice %arg10[%dma_start3A_137] : memref<128xf32, #tpu.memory_space<vmem>> -> memref<16xf32, #tpu.memory_space<vmem>>
        tpu.enqueue_dma source(%dma_start3A_138 : memref<16xf32, #tpu.memory_space<vmem>>) target(%arg7 : memref<16xf32, #tpu.memory_space<hbm>>) target_semaphore(%run_scoped3A : memref<!tpu.dma_semaphore, #tpu.memory_space<semaphore_mem>>)
        %dma_wait3A = arith.constant 0 : i32
        %dma_wait3A_139 = tpu.memref_slice %arg10[%dma_wait3A] : memref<128xf32, #tpu.memory_space<vmem>> -> memref<16xf32, #tpu.memory_space<vmem>>
        %dma_wait3A_140 = arith.constant 0 : i32
        %dma_wait3A_141 = tpu.memref_slice %arg10[%dma_wait3A_140] : memref<128xf32, #tpu.memory_space<vmem>> -> memref<16xf32, #tpu.memory_space<vmem>>
        tpu.wait_dma2 semaphore(%run_scoped3A : memref<!tpu.dma_semaphore, #tpu.memory_space<semaphore_mem>>) src(%dma_wait3A_141 : memref<16xf32, #tpu.memory_space<vmem>>) dst(%arg7 : memref<16xf32, #tpu.memory_space<hbm>>)
        tpu.yield
      }) : () -> ()
    } else {
    }
    %eq3A_129 = arith.constant 12 : i32
    %eq3A_130 = arith.cmpi eq, %arg1, %eq3A_129 : i32
    %convert_element_type3A_131 = arith.extui %eq3A_130 : i1 to i32
    %cond3A_132 = arith.constant 0 : i32
    %cond3A_133 = arith.cmpi ne, %convert_element_type3A_131, %cond3A_132 : i32
    scf.if %cond3A_133 {
      %broadcast_in_dim3A_134 = vector.broadcast %select_n3A_113 : i32 to vector<16xi32>
      %swap3A = arith.constant 0 : index
      %swap3A_135 = tpu.vector_load %arg11[%swap3A] {strides = array<i32>} : memref<256xi32, #tpu.memory_space<vmem>>, vector<16xi32>,
      tpu.vector_store %arg11[%swap3A], %broadcast_in_dim3A_134 {strides = array<i32>} : memref<256xi32, #tpu.memory_space<vmem>>, vector<16xi32>,
      "tpu.region"() ({
        %run_scoped3A = tpu.sem_alloc : memref<!tpu.dma_semaphore, #tpu.memory_space<semaphore_mem>>
        %dma_start3A = arith.constant 0 : i32
        %dma_start3A_136 = tpu.memref_slice %arg11[%dma_start3A] : memref<256xi32, #tpu.memory_space<vmem>> -> memref<16xi32, #tpu.memory_space<vmem>>
        %dma_start3A_137 = arith.constant 0 : i32
        %dma_start3A_138 = tpu.memref_slice %arg11[%dma_start3A_137] : memref<256xi32, #tpu.memory_space<vmem>> -> memref<16xi32, #tpu.memory_space<vmem>>
        tpu.enqueue_dma source(%dma_start3A_138 : memref<16xi32, #tpu.memory_space<vmem>>) target(%arg8 : memref<16xi32, #tpu.memory_space<hbm>>) target_semaphore(%run_scoped3A : memref<!tpu.dma_semaphore, #tpu.memory_space<semaphore_mem>>)
        %dma_wait3A = arith.constant 0 : i32
        %dma_wait3A_139 = tpu.memref_slice %arg11[%dma_wait3A] : memref<256xi32, #tpu.memory_space<vmem>> -> memref<16xi32, #tpu.memory_space<vmem>>
        %dma_wait3A_140 = arith.constant 0 : i32
        %dma_wait3A_141 = tpu.memref_slice %arg11[%dma_wait3A_140] : memref<256xi32, #tpu.memory_space<vmem>> -> memref<16xi32, #tpu.memory_space<vmem>>
        tpu.wait_dma2 semaphore(%run_scoped3A : memref<!tpu.dma_semaphore, #tpu.memory_space<semaphore_mem>>) src(%dma_wait3A_141 : memref<16xi32, #tpu.memory_space<vmem>>) dst(%arg8 : memref<16xi32, #tpu.memory_space<hbm>>)
        tpu.yield
      }) : () -> ()
    } else {
    }
    return
  }
}

</mosaic_0001>

<sc_bundles>
// kernel: kernel.3.cloned.1.call-start
scs
__scs_entry_jumppad:
0x0: {  	(pc) =	sbr.rel $0x88, $3  }
0x1: {  	(tag) =	ssettag $0x0;
	lr =	simm.s32 $0x1  }
0x2: {  	[smem:$0x3F9D] =	sst lr;
	_ =	strace $0xD0000000  }
0x3: {  	_ = 	snop  }
0x4: {  	_ = 	snop  }
0x5: {  	_ = 	snop  }
0x6: {  	_ = 	snop  }
0x7: {  	_ = 	snop  }
__scs_overlays_trampoline_lowered:
0x8: {  	[smem:$0x3FAC] =	sst s0  }
0x9: {  	[smem:$0x3FAD] =	sst s1  }
0xa: {  	[smem:$0x3FAE] =	sst s2  }
0xb: {  	[smem:$0x3FAF] =	sst s3  }
0xc: {  	[smem:$0x3FB0] =	sst s4  }
0xd: {  	[smem:$0x3FB1] =	sst s5  }
0xe: {  	[smem:$0x3FB2] =	sst s6  }
0xf: {  	[smem:$0x3FB3] =	sst s7  }
0x10: {  	[smem:$0x3FB4] =	sst s8  }
0x11: {  	[smem:$0x3FB5] =	sst s9;
	s0 =	simm.s32 @!p0 $0x0  }
0x12: {  	s1 =	sld [smem:$0x3F9B];
	s0 =	simm.s32 @p0 $0x1  }
0x13: {  	[smem:$0x3FB6] =	sst s0;
	s0 =	simm.s32 @!p1 $0x0  }
0x14: {  	s2 =	sld [smem:$0x3F9A];
	s0 =	simm.s32 @p1 $0x1  }
0x15: {  	[smem:$0x3FB7] =	sst s0;
	s0 =	simm.s32 @!p2 $0x0  }
0x16: {  	s3 =	sld [smem:$0x3FDB];
	s0 =	simm.s32 @p2 $0x1  }
0x17: {  	s4 =	simm.s32 $0x1BF5;
	[smem:$0x3FB9] =	sst s0  }
0x18: {  	s0 =	sld [smem:$0x3F9C];
	_ =	swait.ge [sflag:s4], $0x0  }
0x19: {  	s7 =	sld [smem:$0x3F9D]  }
0x1a: {  	s8 =	sadd.s32 $0xFFFFE003, lr  }
0x1b: {  	s9 =	sadd.s32 $0xFFFFFEF7, lr;
	s5 =	simm.s32 $0xFFFFFFFF;
	p2 =	slt.u32 s8, $0xFFFFF086  }
0x1c: {  	p1 =	slt.u32 s9, $0xF7A;
	s5 =	simm.s32 @!p2 $0x0  }
0x1d: {  	s5 =	simm.s32 @p1 $0x1;
	p0 =	seq.s32 s7, s2  }
0x1e: {  	s7 =	smul.u32 @!p0 $0xF7A, s2;
	p2 =	seq.s32 @!p0 s5, $0x0  }
0x1f: {  	s9 =	smul.u32 $0xF7A, s1;
	s8 =	simm.s32 @!p0 $0x1BF5;
	p2 =	por !p2, p0  }
0x20: {  	[sflag:s8] =	ssyncset.s32 @!p0 $0xFFFFF086;
	s6 =	sadd.s32 @!p0 s3, s7;
	s7 =	simm.s32 @!p0 $0x108  }
0x21: {  	s3 =	sadd.s32 s3, s9;
	s6 =	sadd.s32 @!p0 $0x88, s6;
	s7 =	simm.s32 @p2 $0x1082  }
0x22: {  	[simem:s7], [sflag:s8] =	dma.local @!p0 [hbm:s6], $0xF7A  }
0x23: {  	s9 =	sor.u32 $0xD0000000, s2;
	s6 =	simm.s32 $0x108;
	_ =	swait.ge @!p0 [sflag:s8], $0x0  }
0x24: {  	s3 =	sadd.s32 $0x88, s3;
	s6 =	simm.s32 @!p1 $0x1082;
	[sflag:s4] =	ssyncset.s32 $0xFFFFF086  }
0x25: {  	[simem:s6], [sflag:s4] =	dma.local [hbm:s3], $0xF7A  }
0x26: {  	[smem:$0x3F9D] =	sst s1;
	(tag) =	ssettag s2;
	_ =	strace s9  }
0x27: {  	s1 =	sld [smem:$0x3FAD]  }
0x28: {  	s2 =	sld [smem:$0x3FAE]  }
0x29: {  	s4 =	sld [smem:$0x3FB0]  }
0x2a: {  	p0 =	seq.s32 s5, $0x0;
	s5 =	sld [smem:$0x3FB1]  }
0x2b: {  	s6 =	sld [smem:$0x3FB2]  }
0x2c: {  	s7 =	sld [smem:$0x3FB3]  }
0x2d: {  	s3 =	simm.s32 $0x108;
	s8 =	sld [smem:$0x3FB4]  }
0x2e: {  	s3 =	simm.s32 @!p0 $0x1082;
	s9 =	sld [smem:$0x3FB5]  }
0x2f: {  	lr =	sadd.s32 s0, s3;
	s0 =	sld [smem:$0x3FAC]  }
0x30: {  	s3 =	sld [smem:$0x3FAF]  }
0x31: {  	[smem:$0x3FB8] =	sst s10  }
0x32: {  	s10 =	sld [smem:$0x3FB6];
	_ =	sdelay $0x3  }
0x33: {  	p0 =	seq.s32 s10, $0x1;
	s10 =	sld [smem:$0x3FB8];
	_ =	sdelay $0x3  }
0x34: {  	[smem:$0x3FB8] =	sst s10  }
0x35: {  	s10 =	sld [smem:$0x3FB7];
	_ =	sdelay $0x3  }
0x36: {  	p1 =	seq.s32 s10, $0x1;
	s10 =	sld [smem:$0x3FB8];
	_ =	sdelay $0x3  }
0x37: {  	[smem:$0x3FB8] =	sst s10  }
0x38: {  	s10 =	sld [smem:$0x3FB9]  }
0x39: {  	_ = 	snop;
	(pc) =	sbr.ind lr, $3  }
0x3a: {  	_ = 	snop  }
0x3b: {  	_ = 	snop  }
0x3c: {  	p2 =	seq.s32 s10, $0x1;
	s10 =	sld [smem:$0x3FB8]  }
0x3d: {  	_ =	shalt  }
0x3e: {  	_ =	shalt  }
0x3f: {  	_ =	shalt  }
0x40: {  	_ =	shalt  }
0x41: {  	_ =	shalt  }
0x42: {  	_ =	shalt  }
0x43: {  	_ =	shalt  }
0x44: {  	_ =	shalt  }
0x45: {  	_ =	shalt  }
0x46: {  	_ =	shalt  }
0x47: {  	_ =	shalt  }
0x48: {  	_ =	shalt  }
0x49: {  	_ =	shalt  }
0x4a: {  	_ =	shalt  }
0x4b: {  	_ =	shalt  }
0x4c: {  	_ =	shalt  }
0x4d: {  	_ =	shalt  }
0x4e: {  	_ =	shalt  }
0x4f: {  	_ =	shalt  }
0x50: {  	_ =	shalt  }
0x51: {  	_ =	shalt  }
0x52: {  	_ =	shalt  }
0x53: {  	_ =	shalt  }
0x54: {  	_ =	shalt  }
0x55: {  	_ =	shalt  }
0x56: {  	_ =	shalt  }
0x57: {  	_ =	shalt  }
0x58: {  	_ =	shalt  }
0x59: {  	_ =	shalt  }
0x5a: {  	_ =	shalt  }
0x5b: {  	_ =	shalt  }
0x5c: {  	_ =	shalt  }
0x5d: {  	_ =	shalt  }
0x5e: {  	_ =	shalt  }
0x5f: {  	_ =	shalt  }
0x60: {  	_ =	shalt  }
0x61: {  	_ =	shalt  }
0x62: {  	_ =	shalt  }
0x63: {  	_ =	shalt  }
0x64: {  	_ =	shalt  }
0x65: {  	_ =	shalt  }
0x66: {  	_ =	shalt  }
0x67: {  	_ =	shalt  }
0x68: {  	_ =	shalt  }
0x69: {  	_ =	shalt  }
0x6a: {  	_ =	shalt  }
0x6b: {  	_ =	shalt  }
0x6c: {  	_ =	shalt  }
0x6d: {  	_ =	shalt  }
0x6e: {  	_ =	shalt  }
0x6f: {  	_ =	shalt  }
0x70: {  	_ =	shalt  }
0x71: {  	_ =	shalt  }
0x72: {  	_ =	shalt  }
0x73: {  	_ =	shalt  }
0x74: {  	_ =	shalt  }
0x75: {  	_ =	shalt  }
0x76: {  	_ =	shalt  }
0x77: {  	_ =	shalt  }
0x78: {  	_ =	shalt  }
0x79: {  	_ =	shalt  }
0x7a: {  	_ =	shalt  }
0x7b: {  	_ =	shalt  }
0x7c: {  	_ =	shalt  }
0x7d: {  	_ =	shalt  }
0x7e: {  	_ =	shalt  }
0x7f: {  	_ =	shalt  }
0x80: {  	_ =	shalt  }
0x81: {  	_ =	shalt  }
0x82: {  	_ =	shalt  }
0x83: {  	_ =	shalt  }
0x84: {  	_ =	shalt  }
0x85: {  	_ =	shalt  }
0x86: {  	_ =	shalt  }
0x87: {  	_ =	shalt  }
.Lfunc_end0:
.L_simem_size_0:
called_computation_lowered:
.L_overlay_start_0:
0x88: {  	s0 =	sld [smem:$0x3FD9]  }
0x89: {  	s1 =	sld [smem:$0x3FFE];
	_ =	sdelay $0x3  }
0x8a: {  	s0 =	sadd.s32 s1, s0  }
0x8b: {  	[smem:$0x3FC4] =	sst s0  }
0x8c: {  	_ = 	snop  }
0x8d: {  	s0 =	sld [smem:$0x3FC9]  }
0x8e: {  	s14 =	sld [smem:$0x3FD0]  }
0x8f: {  	s2 =	sld [smem:$0x3FC8]  }
0x90: {  	s3 =	sld [smem:$0x3FC7]  }
0x91: {  	s5 =	simm.s32 $0xA;
	s6 =	simm.s32 $0x10;
	s4 =	sld [smem:$0x3FC6]  }
0x92: {  	[smem:s6], [sflag:s5] =	dma.local [hbm:s14], $0x1  }
0x93: {  	_ =	swait.eq [sflag:s5], $0x1  }
0x94: {  	s15 =	sld [smem:$0x10]  }
0x95: {  	s16 =	sld [smem:$0x11];
	[sflag:s5] =	ssyncset.done $0x0  }
0x96: {  	s7 =	sld [smem:$0x12];
	[sflag:s5] =	ssyncadd.s32 $0xFFFFFFFF  }
0x97: {  	s17 =	sld [smem:$0x13];
	(tm) =	ssettm $0x1  }
0x98: {  	s8 =	sld [smem:$0x3FFB];
	_ =	sdelay $0x3  }
0x99: {  	_ =	strace s8  }
0x9a: {  	s8 =	sld [smem:$0x3FFC];
	_ =	sdelay $0x3  }
0x9b: {  	_ =	strace s8  }
0x9c: {  	s8 =	sld [smem:$0x3FFD];
	_ =	sdelay $0x3  }
0x9d: {  	_ =	strace s8  }
0x9e: {  	_ =	strace $0x8FFFFFFF  }
0x9f: {  	s18 =	sld [smem:$0x3FDB];
	_ =	sdelay $0x1  }
0xa0: {  	s9 =	simm.s32 $_scs_section_size  }
0xa1: {  	s10 =	simm.s32 $_size__tile_overlayer_lowered;
	s11 =	simm.s32 $_tile_overlayer_lowered  }
0xa2: {  	s21 =	simm.s32 $0x1BFF;
	s20 =	sshll.u32 s11, $0x1;
	s8 =	sadd.s32 s9, s18  }
0xa3: {  	s12 =	simm.s32 $0x0;
	s19 =	sshll.u32 s10, $0x1;
	s10 =	sadd.s32 s20, s8  }
0xa4: {  	[timem:s12], [sflag:s21] =	dma.local [hbm:s10], s19  }
0xa5: {  	_ =	swait.ge [sflag:s21], s19  }
0xa6: {  	s9 =	ssub.s32 $0x0, s19;
	[sflag:s21] =	ssyncset.done $0x0  }
0xa7: {  	[sflag:s21] =	ssyncadd.s32 s9;
	_ =	sdelay $0x1  }
0xa8: {  	s22 =	simm.s32 $0x1B8B  }
0xa9: {  	_ =	swait.ge [sflag:s22], $0x1  }
0xaa: {  	[sflag:s22] =	ssyncset.done $0x0  }
0xab: {  	s23 =	simm.s32 $0x1B8E;
	[sflag:s22] =	ssyncadd.s32 $0xFFFFFFFF  }
0xac: {  	s24 =	simm.s32 $execute0_lowered;
	[smem:$0x3FD2] =	sst s23  }
0xad: {  	s9 =	sshll.u32 s24, $0x1;
	_ =	strace $0x80000046;
	[dreg:$0x1] =	wrdreg $0xFFFFFFFF  }
0xae: {  	s25 =	simm.s32 $_size_execute0_lowered;
	s8 =	sadd.s32 s8, s9;
	[dreg:$0x0] =	wrdreg $0x0  }
0xaf: {  	s9 =	sshll.u32 s25, $0x1;
	[dreg:$0x2] =	wrdreg s8  }
0xb0: {  	[dreg:$0x3] =	wrdreg s9  }
0xb1: {  	[dreg:$0x4] =	wrdreg $0xC0  }
0xb2: {  	_ =	task [dreg:s12], $0x5FFFF  }
0xb3: {  	[dreg:$0x1] =	wrdreg $0xFFFFFFFF  }
0xb4: {  	[dreg:$0x0] =	wrdreg $0x60  }
0xb5: {  	[dreg:$0x2] =	wrdreg s0  }
0xb6: {  	[dreg:$0x3] =	wrdreg s2  }
0xb7: {  	[dreg:$0x4] =	wrdreg s3  }
0xb8: {  	[dreg:$0x5] =	wrdreg s4  }
0xb9: {  	[dreg:$0x6] =	wrdreg s15  }
0xba: {  	[dreg:$0x7] =	wrdreg s16  }
0xbb: {  	[dreg:$0x8] =	wrdreg s7  }
0xbc: {  	[dreg:$0x9] =	wrdreg s17  }
0xbd: {  	[dreg:$0xa] =	wrdreg $0x9  }
0xbe: {  	_ =	task.clear_ibuf [dreg:s12], $0xBFFFF;
	_ =	strace $0x90000046  }
0xbf: {  	s26 =	simm.s32 $0x9;
	_ =	strace $0x80000048  }
0xc0: {  	_ =	swait.ge [sflag:s26], $0x1  }
0xc1: {  	[sflag:s26] =	ssyncadd.s32 $0xFFFFFFFF  }
0xc2: {  	_ =	strace $0x90000048  }
0xc3: {  	_ =	sfence  }
0xc4: {  	s28 =	sld [smem:$0x0];
	_ =	sdelay $0x1  }
0xc5: {  	s29 =	srdreg.scid  }
0xc6: {  	s30 =	sshll.u32 s29, $0xD;
	s31 =	sshrl.u32 s29, $0x2  }
0xc7: {  	s1 =	sand.u32 $0x1, s29;
	s2 =	sand.u32 $0x4000, s30;
	s0 =	sadd.s32 s31, s28  }
0xc8: {  	s1 =	sor.u32 s2, s1;
	s0 =	sshll.u32 s0, $0x11  }
0xc9: {  	s0 =	sor.u32 s0, s1  }
0xca: {  	s0 =	sadd.s32 $0x8F2B, s0  }
0xcb: {  	[sflag:s0] =	ssyncadd.remote.s32 $0x1  }
0xcc: {  	_ =	sfence.sel $0xFFFF  }
0xcd: {  	[dreg:$0x0] =	wrdreg $0xFFFFFFFF;
	(pc) =	sbr.abs _section_cstart, $3  }
0xce: {  	[dreg:$0x1] =	wrdreg $0xFFFFFFFF  }
0xcf: {  	_ =	task.clear_ibuf [dreg:s12], $0x2FFFF;
	_ =	strace $0x9FFFFFFF  }
0xd0: {  	(tm) =	ssettm $0x7FFFFFFF  }
0xd1: {  	_ =	shalt  }
tec
execute0_lowered:
.L_overlay_start_1:
0x0: {  	(tag) =	ssettag $0x1  }
0x1: {  	s10 =	rddreg [dreg:$0x0]  }
0x2: {  	s8 =	rddreg [dreg:$0x1]  }
0x3: {  	s2 =	rddreg [dreg:$0x2]  }
0x4: {  	s11 =	rddreg [dreg:$0x3]  }
0x5: {  	s3 =	rddreg [dreg:$0x4]  }
0x6: {  	s4 =	rddreg [dreg:$0x5]  }
0x7: {  	s5 =	rddreg [dreg:$0x6]  }
0x8: {  	s6 =	rddreg [dreg:$0x7];
	s1 =	stileid.u32  }
0x9: {  	s0 =	rddreg [dreg:$0x8];
	s9 =	simm.s32 $0x0;
	s7 =	smul.u32 $0x2710, s1  }
0xa: {  	[smem:$0x7FF] =	sst s9  }
0xb: {  	p0 =	sgt.u32 s1, $0x9;
	_ =	strace $0x80000047;
	s12 =	sshrl.u32 s7, $0x3  }
0xc: {  	s13 =	simm.s32 @!p0 $0x0;
	s14 =	simm.s32 @!p0 $0x280;
	s11 =	sadd.s32 @!p0 s11, s12  }
0xd: {  	[tilespmem:s14], [sflag:$0x2] =	stream.linear.gather @!p0 [hbm4b:s11+s13], $0x2710, $0x38;
	[tilespmem:$0x2A00] =	vst v63  }
0xe: {  	s31 =	simm.s32 $0x4  }
0xf: {  	[tilespmem:s9], [sflag:$0x4] =	stream.linear.gather [hbm4b:s10+s9], $0x80, $0x38;
	[tilespmem:$0x2A00] =	vst v63  }
0x10: {  	_ =	swait.ge [sflag:s31], $0x80  }
0x11: {  	[sflag:s31] =	ssyncset.done $0x0  }
0x12: {  	[sflag:s31] =	ssyncadd.s32 $0xFFFFFF80  }
0x13: {  	v1 =	vld [tilespmem:$0x0]  }
0x14: {  	v2 =	vld [tilespmem:$0x10]  }
0x15: {  	v3 =	vld [tilespmem:$0x20];
	_ =	sdelay $0x1  }
0x16: {  	v4 =	vld [tilespmem:$0x30]  }
0x17: {  	v6 =	vld [tilespmem:$0x50]  }
0x18: {  	v0 =	vlaneseq.u32;
	vm1 =	vgt.f32 v2, $5.000000000e-01;
	v2 =	vld [tilespmem:$0x40]  }
0x19: {  	vm0 =	vgt.f32 v1, $5.000000000e-01;
	v1 =	vor.u32 $0x10, v0;
	vm10 =	vgt.f32 v3, $5.000000000e-01  }
0x1a: {  	v3 =	vor.u32 $0x20, v0;
	v5 =	vnsel vm0, $0x0, v0;
	v1 =	vnsel vm1, $0x0, v1  }
0x1b: {  	v61 =	vor.u32 $0x30, v0;
	v62 =	vld [tilespmem:$0x60];
	v3 =	vnsel vm10, $0x0, v3;
	v1 =	vadd.s32 v5, v1  }
0x1c: {  	v63 =	vld [tilespmem:$0x70];
	vm11 =	vgt.f32 v4, $5.000000000e-01;
	vm13 =	vgt.f32 v6, $5.000000000e-01;
	v1 =	vadd.s32 v3, v1  }
0x1d: {  	v3 =	vnsel vm11, $0x0, v61;
	vm12 =	vgt.f32 v2, $5.000000000e-01;
	v2 =	vor.u32 $0x40, v0  }
0x1e: {  	v1 =	vadd.s32 v3, v1;
	v3 =	vor.u32 $0x50, v0;
	v2 =	vnsel vm12, $0x0, v2  }
0x1f: {  	v1 =	vadd.s32 v2, v1;
	v2 =	vnsel vm13, $0x0, v3  }
0x20: {  	vm14 =	vgt.f32 v62, $5.000000000e-01;
	v1 =	vadd.s32 v2, v1;
	v2 =	vor.u32 $0x60, v0  }
0x21: {  	vm15 =	vgt.f32 v63, $5.000000000e-01;
	v3 =	vor.u32 $0x70, v0;
	v2 =	vnsel vm14, $0x0, v2  }
0x22: {  	v1 =	vadd.s32 v2, v1;
	v2 =	vnsel vm15, $0x0, v3  }
0x23: {  	v1 =	vadd.s32 v2, v1  }
0x24: {  	(xrf0) =	vadd.scan.msk.s32 $0xffff, v1;
	_ =	sdelay $0x5  }
0x25: {  	s10 =	simm.s32 @!p0 $0x2;
	v1, _, _ =	vpop (xrf0)  }
0x26: {  	_ =	swait.ge @!p0 [sflag:s10], $0x2710  }
0x27: {  	s11 =	sadd.s32 s6, s12;
	[sflag:s10] =	ssyncset.done @!p0 $0x0  }
0x28: {  	s12 =	simm.s32 $0x80;
	[sflag:s10] =	ssyncadd.s32 @!p0 $0xFFFFD8F0;
	s10 =	simm.s32 $0xF0  }
0x29: {  	[hbm4b:s11+s13] =	stream.linear.scatter @!p0 [tilespmem:s14], [sflag:$0x3], $0x2710, $0x38;
	[tilespmem:$0x2A00] =	vst v63  }
0x2a: {  	v1 =	vbroadcast v1, $0xF;
	s11 =	simm.s32 $0x100;
	s13 =	simm.s32 $0x180;
	s14 =	simm.s32 $0x1  }
.LBB2_1:
0x2b: {  	s15 =	sadd.s32 $0xFFFFFF10, s10  }
0x2c: {  	s16 =	sadd.s32 $0xFFFFFF20, s10;
	s17 =	sadd.s32 $0xFFFFFF30, s10;
	s18 =	sadd.s32 $0xFFFFFF40, s10;
	v20 =	vor.u32 s10, v0;
	v2 =	vor.u32 s15, v0  }
0x2d: {  	s19 =	sadd.s32 $0xFFFFFF50, s10;
	s20 =	sadd.s32 $0xFFFFFF60, s10;
	s21 =	sadd.s32 $0xFFFFFF70, s10;
	v4 =	vor.u32 s16, v0;
	v5 =	vor.u32 s17, v0;
	v7 =	vor.u32 s18, v0  }
0x2e: {  	s22 =	sadd.s32 $0xFFFFFF80, s10;
	s23 =	sadd.s32 $0xFFFFFF90, s10;
	s24 =	sadd.s32 $0xFFFFFFA0, s10;
	v10 =	vor.u32 s19, v0;
	v11 =	vor.u32 s20, v0;
	v13 =	vor.u32 s21, v0  }
0x2f: {  	s25 =	sadd.s32 $0xFFFFFFB0, s10;
	s26 =	sadd.s32 $0xFFFFFFC0, s10;
	s28 =	sadd.s32 $0xFFFFFFD0, s10;
	v16 =	vor.u32 s22, v0;
	v17 =	vor.u32 s23, v0;
	v18 =	vor.u32 s24, v0  }
0x30: {  	s29 =	sadd.s32 $0xFFFFFFE0, s10;
	s30 =	sadd.s32 $0xFFFFFFF0, s10;
	v28 =	vor.u32 s25, v0;
	v29 =	vor.u32 s26, v0;
	v19 =	vor.u32 s28, v0  }
0x31: {  	v36 =	vor.u32 s29, v0;
	v38 =	vor.u32 s30, v0;
	vm0 =	vlt.s32 v2, $0x1869F  }
0x32: {  	vm7 =	vlt.s32 v4, $0x1869F;
	vm8 =	vlt.s32 v5, $0x1869F;
	vm9 =	vlt.s32 v7, $0x1869F  }
0x33: {  	vm10 =	vlt.s32 v10, $0x1869F;
	vm11 =	vlt.s32 v11, $0x1869F;
	vm12 =	vlt.s32 v13, $0x1869F  }
0x34: {  	vm13 =	vlt.s32 v16, $0x1869F;
	vm14 =	vlt.s32 v17, $0x1869F;
	vm15 =	vlt.s32 v18, $0x1869F  }
0x35: {  	vm4 =	vlt.s32 v28, $0x1869F;
	vm5 =	vlt.s32 v29, $0x1869F;
	vm6 =	vlt.s32 v19, $0x1869F  }
0x36: {  	v3 =	vnsel vm0, $0x1869F, v2;
	v6 =	vnsel vm7, $0x1869F, v4;
	v8 =	vnsel vm8, $0x1869F, v5  }
0x37: {  	v9 =	vnsel vm9, $0x1869F, v7;
	v12 =	vnsel vm10, $0x1869F, v10;
	v3 =	vshll.u32 v3, $0x7  }
0x38: {  	v14 =	vnsel vm11, $0x1869F, v11;
	v6 =	vshll.u32 v6, $0x7;
	v3 =	vadd.s32 v1, v3  }
0x39: {  	v15 =	vnsel vm12, $0x1869F, v13;
	v8 =	vshll.u32 v8, $0x7;
	v6 =	vadd.s32 v1, v6;
	[tilespmem:$0x80] =	vst v3  }
0x3a: {  	v26 =	vnsel vm14, $0x1869F, v17;
	v9 =	vshll.u32 v9, $0x7;
	v8 =	vadd.s32 v1, v8;
	[tilespmem:$0x90] =	vst v6  }
0x3b: {  	v27 =	vnsel vm15, $0x1869F, v18;
	v12 =	vshll.u32 v12, $0x7;
	v9 =	vadd.s32 v1, v9;
	[tilespmem:$0xA0] =	vst v8  }
0x3c: {  	v30 =	vnsel vm4, $0x1869F, v28;
	v14 =	vshll.u32 v14, $0x7;
	v12 =	vadd.s32 v1, v12;
	[tilespmem:$0xB0] =	vst v9  }
0x3d: {  	v31 =	vnsel vm5, $0x1869F, v29;
	v15 =	vshll.u32 v15, $0x7;
	v14 =	vadd.s32 v1, v14;
	[tilespmem:$0xC0] =	vst v12  }
0x3e: {  	v33 =	vnsel vm6, $0x1869F, v19;
	v32 =	vshll.u32 v31, $0x7;
	v15 =	vadd.s32 v1, v15;
	[tilespmem:$0xD0] =	vst v14  }
0x3f: {  	v35 =	vshll.u32 v33, $0x7;
	v34 =	vadd.s32 v1, v32;
	v3 =	vnsel vm13, $0x1869F, v16;
	[tilespmem:$0xE0] =	vst v15  }
0x40: {  	vm7 =	vlt.s32 v36, $0x1869F;
	v37 =	vadd.s32 v1, v35;
	[tilespmem:$0x130] =	vst v34;
	v3 =	vshll.u32 v3, $0x7  }
0x41: {  	vm8 =	vlt.s32 v38, $0x1869F;
	v14 =	vshll.u32 v30, $0x7;
	[tilespmem:$0x140] =	vst v37;
	v3 =	vadd.s32 v1, v3  }
0x42: {  	vm9 =	vlt.s32 v20, $0x1869F;
	v6 =	vshll.u32 v26, $0x7;
	[tilespmem:$0xF0] =	vst v3;
	v3 =	vadd.s32 v1, v14  }
0x43: {  	v8 =	vshll.u32 v27, $0x7;
	v6 =	vadd.s32 v1, v6;
	[tilespmem:$0x120] =	vst v3;
	v3 =	vnsel vm7, $0x1869F, v36  }
0x44: {  	v39 =	vnsel vm8, $0x1869F, v38;
	v8 =	vadd.s32 v1, v8;
	[tilespmem:$0x100] =	vst v6;
	v3 =	vshll.u32 v3, $0x7  }
0x45: {  	v40 =	vnsel vm9, $0x1869F, v20;
	[tilespmem:$0x110] =	vst v8;
	v6 =	vshll.u32 v39, $0x7;
	v3 =	vadd.s32 v1, v3  }
0x46: {  	v41 =	vshll.u32 v40, $0x7;
	[tilespmem:$0x150] =	vst v3;
	v3 =	vadd.s32 v1, v6  }
0x47: {  	[tilespmem:$0x160] =	vst v3;
	v3 =	vadd.s32 v1, v41  }
0x48: {  	[tilespmem:$0x170] =	vst v3  }
0x49: {  	[tilespmem:s13], [sflag:$0x1] =	stream.indirect.gather [hbm4b:s8+s11], $0x1, s12, s11, $0xb8;
	[tilespmem:$0x2A00] =	vst v63  }
0x4a: {  	_ =	swait.ge [sflag:s14], $0x100  }
0x4b: {  	[sflag:s14] =	ssyncset.done $0x0  }
0x4c: {  	[sflag:s14] =	ssyncadd.s32 $0xFFFFFF00  }
0x4d: {  	v3 =	vld [tilespmem:$0x190];
	_ =	sdelay $0x2  }
0x4e: {  	v42 =	vld [tilespmem:$0x180]  }
0x4f: {  	vm10 =	vlt.s32 v4, $0x186A0  }
0x50: {  	vm1 =	vgt.f32 v3, $5.000000000e-01;
	v3 =	vnsel vm10, $0x186A0, v4  }
0x51: {  	v43 =	vld [tilespmem:$0x1A0];
	v3 =	vnsel vm1, $0x186A0, v3  }
0x52: {  	vm11 =	vlt.s32 v2, v3  }
0x53: {  	vm12 =	vgt.f32 v42, $5.000000000e-01;
	v2 =	vsel vm11, v2, v3  }
0x54: {  	v2 =	vsel vm12, v2, v3;
	v3 =	vld [tilespmem:$0x1B0]  }
0x55: {  	vm13 =	vlt.s32 v5, v2  }
0x56: {  	vm14 =	vgt.f32 v43, $5.000000000e-01;
	v44 =	vsel vm13, v5, v2  }
0x57: {  	v45 =	vld [tilespmem:$0x1C0];
	v2 =	vsel vm14, v44, v2  }
0x58: {  	vm15 =	vlt.s32 v7, v2  }
0x59: {  	vm4 =	vgt.f32 v3, $5.000000000e-01;
	v3 =	vsel vm15, v7, v2  }
0x5a: {  	v2 =	vsel vm4, v3, v2;
	v3 =	vld [tilespmem:$0x1D0]  }
0x5b: {  	vm5 =	vlt.s32 v10, v2  }
0x5c: {  	vm6 =	vgt.f32 v45, $5.000000000e-01;
	v46 =	vsel vm5, v10, v2  }
0x5d: {  	v47 =	vld [tilespmem:$0x1E0];
	v2 =	vsel vm6, v46, v2  }
0x5e: {  	vm7 =	vlt.s32 v11, v2  }
0x5f: {  	vm8 =	vgt.f32 v3, $5.000000000e-01;
	v3 =	vsel vm7, v11, v2  }
0x60: {  	v2 =	vsel vm8, v3, v2;
	v3 =	vld [tilespmem:$0x1F0]  }
0x61: {  	vm9 =	vlt.s32 v13, v2  }
0x62: {  	v49 =	vld [tilespmem:$0x200];
	vm10 =	vgt.f32 v47, $5.000000000e-01;
	v48 =	vsel vm9, v13, v2  }
0x63: {  	v50 =	vld [tilespmem:$0x210];
	v2 =	vsel vm10, v48, v2  }
0x64: {  	vm11 =	vlt.s32 v16, v2  }
0x65: {  	v51 =	vld [tilespmem:$0x220];
	vm12 =	vgt.f32 v3, $5.000000000e-01;
	v3 =	vsel vm11, v16, v2  }
0x66: {  	vm2 =	vlt.s32 v18, $0x186A0;
	v2 =	vsel vm12, v3, v2  }
0x67: {  	v53 =	vnsel vm2, $0x186A0, v18;
	v3 =	vld [tilespmem:$0x230];
	vm1 =	vlt.s32 v17, v2  }
0x68: {  	vm13 =	vgt.f32 v49, $5.000000000e-01;
	vm14 =	vgt.f32 v50, $5.000000000e-01;
	v52 =	vsel vm1, v17, v2  }
0x69: {  	v54 =	vld [tilespmem:$0x240];
	v4 =	vnsel vm14, $0x186A0, v53;
	vm15 =	vlt.s32 v28, $0x186A0;
	v2 =	vsel vm13, v52, v2  }
0x6a: {  	vm4 =	vgt.f32 v51, $5.000000000e-01;
	v55 =	vnsel vm15, $0x186A0, v28;
	vm1 =	vlt.s32 v2, v4  }
0x6b: {  	v57 =	vld [tilespmem:$0x250];
	v56 =	vnsel vm4, $0x186A0, v55;
	vm5 =	vlt.s32 v29, $0x186A0;
	v2 =	vsel vm1, v2, v4  }
0x6c: {  	vm6 =	vgt.f32 v3, $5.000000000e-01;
	v3 =	vnsel vm5, $0x186A0, v29;
	vm1 =	vlt.s32 v2, v56  }
0x6d: {  	v58 =	vld [tilespmem:$0x260];
	vm7 =	vlt.s32 v19, $0x186A0;
	v3 =	vnsel vm6, $0x186A0, v3;
	v2 =	vsel vm1, v2, v56  }
0x6e: {  	vm8 =	vgt.f32 v54, $5.000000000e-01;
	v59 =	vnsel vm7, $0x186A0, v19;
	vm1 =	vlt.s32 v2, v3  }
0x6f: {  	v60 =	vld [tilespmem:$0x270];
	vm9 =	vlt.s32 v36, $0x186A0;
	v2 =	vsel vm1, v2, v3;
	v3 =	vnsel vm8, $0x186A0, v59  }
0x70: {  	vm10 =	vgt.f32 v57, $5.000000000e-01;
	v61 =	vnsel vm9, $0x186A0, v36;
	vm1 =	vlt.s32 v2, v3  }
0x71: {  	vm11 =	vlt.s32 v38, $0x186A0;
	v2 =	vsel vm1, v2, v3;
	v3 =	vnsel vm10, $0x186A0, v61  }
0x72: {  	vm12 =	vgt.f32 v58, $5.000000000e-01;
	v62 =	vnsel vm11, $0x186A0, v38;
	vm1 =	vlt.s32 v2, v3  }
0x73: {  	vm13 =	vlt.s32 v20, $0x186A0;
	v2 =	vsel vm1, v2, v3;
	v3 =	vnsel vm12, $0x186A0, v62  }
0x74: {  	vm14 =	vgt.f32 v60, $5.000000000e-01;
	v63 =	vnsel vm13, $0x186A0, v20;
	vm1 =	vlt.s32 v2, v3  }
0x75: {  	v2 =	vsel vm1, v2, v3;
	v3 =	vnsel vm14, $0x186A0, v63  }
0x76: {  	vm15 =	vlt.s32 v2, v3  }
0x77: {  	v2 =	vsel vm15, v2, v3  }
0x78: {  	v2 =	vxor.u32 $0x80000000, v2  }
0x79: {  	(xrf0) =	vmin.scan.msk.u32 $0xffff, v2;
	_ =	sdelay $0x5  }
0x7a: {  	v2, _, _ =	vpop (xrf0)  }
0x7b: {  	(v2sf) =	vpush v2, $0xF;
	_ =	sdelay $0xe  }
0x7c: {  	s31 =	spop (v2sf)  }
0x7d: {  	p1 =	sgt.u32 s9, $0x185;
	s15 =	sxor.u32 $0x80000000, s31  }
0x7e: {  	p2 =	sgt.s32 @!p1 s15, $0x1869F  }
0x7f: {  	p1 =	por p1, !p2  }
.Ltmp0:
0x80: {  	_ = 	snop;
	(pc) =	sbr.rel @!p1 .LBB2_1-.Ltmp0, $2  }
0x81: {  	_ =	sdelay $0x2  }
0x82: {  	s9 =	sadd.s32 $0x1, s9;
	s10 =	sadd.s32 $0x100, s10  }
0x83: {  	p1 =	slt.s32 s15, $0x186A0  }
0x84: {  	p3 =	sgt.s32 @!p0 s15, $0x1869F;
	s15 =	simm.s32 @!p1 $0x186A0  }
0x85: {  	s9 =	simm.s32 @!p1 $0x0;
	s8 =	smov.u32 s15  }
0x86: {  	s9 =	simm.s32 @p1 $0x1;
	s8 =	simm.s32 @!p1 $0x0  }
0x87: {  	p4 =	por p3, p0;
	[smem:$0x7FD] =	sst s9;
	s9 =	ssub.s32 @!p0 s8, s7  }
0x88: {  	p5 =	sgt.u32 @!p4 s9, $0x270F  }
0x89: {  	p2 =	por @!p0 p5, p3  }
0x8a: {  	p2 =	por p2, p0  }
0x8b: {  	s10 =	sand.u32 @!p2 $0xF, s15  }
0x8c: {  	p6 =	seq.s32 @!p2 s15, s7;
	p1 =	sne.s32 @!p2 s10, $0x0  }
0x8d: {  	p1 =	por @!p2 !p1, !p6  }
0x8e: {  	p1 =	por @!p2 !p1, !p1  }
0x8f: {  	p1 =	por @!p4 !p1, p5  }
0x90: {  	p1 =	por @!p0 !p1, p3  }
0x91: {  	s10 =	simm.s32 @!p2 $0xFFFFFFFF;
	p1 =	por !p1, p0  }
0x92: {  	s11 =	simm.s32 @!p0 $0x3;
	s10 =	simm.s32 @p1 $0x0  }
0x93: {  	_ =	swait.ge @!p0 [sflag:s11], $0x2710;
	s10 =	sshll.u32 @!p2 s10, $0x4  }
0x94: {  	[sflag:s11] =	ssyncset.done @!p0 $0x0;
	s10 =	sadd.s32 @!p2 s9, s10  }
0x95: {  	[sflag:s11] =	ssyncadd.s32 @!p0 $0xFFFFD8F0;
	s10 =	sand.u32 @!p2 $0xFFFFFFF0, s10  }
0x96: {  	v0 =	vld @!p2 [tilespmem:s10+$0x280]  }
0x97: {  	v1 =	vlaneseq.u32 @!p2  }
0x98: {  	v1 =	vor.u32 @!p2 s10, v1  }
0x99: {  	vm0 =	veq.s32 @!p2 v1, s9;
	v1 =	vimm.s32 @!p2 $0x0  }
0x9a: {  	s7 =	sadd.s32 @!p2 s7, s10;
	v1 =	vsel @!p2 vm0, $0x1, v1  }
0x9b: {  	p0 =	seq.s32 s1, $0xC;
	s7 =	sshrl.u32 @!p2 s7, $0x3;
	v0 =	vadd.s32 @!p2 v1, v0  }
0x9c: {  	s9 =	simm.s32 @!p2 $0x80;
	s6 =	sadd.s32 @!p2 s6, s7;
	s7 =	simm.s32 @!p2 $0x0;
	[tilespmem:$0x80] =	vst @!p2 v0  }
0x9d: {  	[hbm4b:s6+s7] =	stream.linear.scatter @!p2 [tilespmem:s9], [sflag:$0x4], $0x10, $0x38;
	[tilespmem:$0x2A00] =	vst v63  }
.Ltmp1:
0x9e: {  	_ = 	snop;
	(pc) =	sbr.rel @p0 .LBB2_7-.Ltmp1, $4  }
0x9f: {  	s6 =	simm.s32 @!p2 $0x4  }
0xa0: {  	_ =	swait.ge @!p2 [sflag:s6], $0x10  }
0xa1: {  	[sflag:s6] =	ssyncset.done @!p2 $0x0  }
0xa2: {  	[sflag:s6] =	ssyncadd.s32 @!p2 $0xFFFFFFF0  }
0xa3: {  	p0 =	seq.s32 s1, $0xB  }
.Ltmp2:
0xa4: {  	_ = 	snop;
	(pc) =	sbr.rel @p0 .LBB2_6-.Ltmp2, $1  }
0xa5: {  	_ =	sdelay $0x3  }
0xa6: {  	p0 =	sne.s32 s1, $0xA  }
.Ltmp3:
0xa7: {  	_ = 	snop;
	(pc) =	sbr.rel @p0 .LBB2_9-.Ltmp3, $1  }
0xa8: {  	_ =	sdelay $0x3  }
.Ltmp4:
0xa9: {  	(pc) =	sbr.rel .LBB2_8-.Ltmp4, $4  }
0xaa: {  	s4 =	sshll.u32 s8, $0x4  }
0xab: {  	s4 =	sand.u32 $0x1FFFFFF0, s4  }
0xac: {  	s31 =	simm.s32 $0x1E84;
	s2 =	sadd.s32 s2, s4  }
0xad: {  	[hbm:s3], [sflag:s31] =	dma.local [hbm:s2], $0x10  }
.LBB2_6:
0xae: {  	s3 =	sld [smem:$0x7FD];
	_ =	sdelay $0x2  }
.Ltmp5:
0xaf: {  	s2 =	simm.f32 $1.000000000e+00;
	p0 =	seq.s32 s3, $0x1;
	(pc) =	sbr.rel .LBB2_8-.Ltmp5, $4  }
0xb0: {  	s2 =	simm.s32 @!p0 $0x0  }
0xb1: {  	v0 =	vmov s2  }
0xb2: {  	s31 =	simm.s32 $0x0;
	[tilespmem:$0x0] =	vst v0  }
0xb3: {  	[hbm4b:s4+s31] =	stream.linear.scatter [tilespmem:s31], [sflag:$0x4], $0x10, $0x38;
	[tilespmem:$0x2A00] =	vst v63  }
.LBB2_7:
0xb4: {  	v0 =	vmov s8  }
0xb5: {  	s2 =	simm.s32 $0x0;
	s3 =	simm.s32 $0x80;
	[tilespmem:$0x80] =	vst v0  }
0xb6: {  	[hbm4b:s5+s2] =	stream.linear.scatter [tilespmem:s3], [sflag:$0x4], $0x10, $0x38;
	[tilespmem:$0x2A00] =	vst v63  }
.LBB2_8:
0xb7: {  	s2 =	simm.s32 $0x4  }
0xb8: {  	_ =	swait.ge [sflag:s2], $0x10  }
0xb9: {  	[sflag:s2] =	ssyncset.done $0x0  }
0xba: {  	[sflag:s2] =	ssyncadd.s32 $0xFFFFFFF0  }
.LBB2_9:
0xbb: {  	_ =	sfence.sel $0x180000  }
0xbc: {  	[bflag:$0x0] =	sbarrier.arrive $0xFFFF  }
0xbd: {  	p0 =	sne.s32 s1, $0x0;
	_ =	strace $0x90000047  }
0xbe: {  	s0 =	sadd.s32 @!p0 $0x100000, s0;
	[bflag:$0x2] =	sbarrier.arrive $0xFFFF  }
0xbf: {  	[sflag:s0] =	ssyncadd.tile.s32 @!p0 $0x1;
	_ =	shalt  }
.Lfunc_end2:
_tile_overlayer_lowered:
.L_overlay_start_2:
0xc0: {  	(tag) =	ssettag $0x2  }
0xc1: {  	s0 =	rddreg [dreg:$0x0];
	s2 =	stileid.u32  }
0xc2: {  	s1 =	rddreg [dreg:$0x1];
	p0 =	sne.s32 s2, $0x0  }
0xc3: {  	s3 =	rddreg [dreg:$0x2];
	[bflag:$0x3] =	sbarrier.arrive $0xFFFF;
	s2 =	simm.s32 @!p0 $0x1C04  }
0xc4: {  	[timem:s3], [sflag:s2] =	dma.local @!p0 [hbm:s0], s1  }
0xc5: {  	s0 =	simm.s32 @!p0 $0x4  }
0xc6: {  	_ =	swait.ge @!p0 [sflag:s0], s1  }
0xc7: {  	s1 =	ssub.s32 @!p0 $0x0, s1;
	[sflag:s0] =	ssyncset.done @!p0 $0x0  }
0xc8: {  	[sflag:s0] =	ssyncadd.s32 @!p0 s1  }
0xc9: {  	[bflag:$0x3] =	sbarrier.arrive $0xFFFF  }
0xca: {  	_ =	shalt  }

</sc_bundles>
